<compile_context>
chip_gen: v7x
topology: tpu7x:2x2x1
jax: 0.10.2.dev20260603
libtpu: 0.0.44.dev20260713+nightly
codegen_flags: <defaults>
</compile_context>

<pallas_src>
import functools

import jax
import jax.numpy as jnp
from jax import lax
from jax.experimental import pallas as pl
from jax.experimental.pallas import tpu as pltpu
from jax.experimental.pallas import tpu_sc as plsc

V = 1000000
D = 16
B = 16384
H = 200
HP = 208
H0, H1 = 104, 96
NBUF = 8
BLK = 131072

_info = plsc.get_sparse_core_info()
_NC, _NS = _info.num_cores, _info.num_subcores
NW = _NC * _NS
PW = B // NW


def _proj_body(w_ref, t_ref, o_ref):
    o_ref[...] = jnp.sum(t_ref[...] * w_ref[...], axis=0)


def _project(tab_t, w_col):
    grid = (V + BLK - 1) // BLK
    return pl.pallas_call(
        _proj_body,
        grid=(grid,),
        in_specs=[
            pl.BlockSpec((D, 1), lambda i: (0, 0)),
            pl.BlockSpec((D, BLK), lambda i: (0, i)),
        ],
        out_specs=pl.BlockSpec((BLK,), lambda i: (i,)),
        out_shape=jax.ShapeDtypeStruct((V,), jnp.float32),
    )(w_col, tab_t)


def _sc_body(x_hbm, proj_hbm, b_hbm, out_hbm,
             idx_r, vals_v, tbuf, outv, b_v, *sems):
    c = lax.axis_index("c")
    s = lax.axis_index("s")
    wid = s * _NC + c
    base = wid * PW
    sem_g = sems

    pltpu.sync_copy(x_hbm.at[pl.ds(base, PW)], idx_r)
    pltpu.sync_copy(b_hbm, b_v)
    b_vec = b_v[...]

    zero = jnp.zeros((D,), jnp.float32)
    for slot in range(NBUF):
        vals_v[slot, pl.ds(H - 8, D)] = zero

    def issue(i, slot):
        pltpu.async_copy(proj_hbm.at[idx_r.at[i, pl.ds(0, H0)]],
                         vals_v.at[slot, pl.ds(0, H0)], sem_g[slot])
        pltpu.async_copy(proj_hbm.at[idx_r.at[i, pl.ds(H0, H1)]],
                         vals_v.at[slot, pl.ds(H0, H1)], sem_g[slot])

    def wait(slot):
        pltpu.make_async_copy(proj_hbm.at[pl.ds(0, H)],
                              vals_v.at[slot, pl.ds(0, H)], sem_g[slot]).wait()

    for e in range(NBUF):
        issue(e, e)

    def outer(k, carry):
        for e in range(NBUF):
            i = k * NBUF + e
            wait(e)
            acc = zero
            for j in range(HP // D):
                acc = acc + vals_v[e, pl.ds(j * D, D)]
            tbuf[pl.ds(i * D, D)] = acc

            @pl.when(i + NBUF < PW)
            def _():
                issue(i + NBUF, e)
        return carry

    lax.fori_loop(0, PW // NBUF, outer, 0)

    def finalize(g, carry):
        row_ids = (g * D + lax.iota(jnp.int32, D)) * D
        zv = jnp.zeros((D,), jnp.float32)
        for l in range(D):
            zv = zv + plsc.load_gather(tbuf, [row_ids + l])
        z = zv / jnp.float32(H) + b_vec
        y = 1.0 / (1.0 + jnp.exp(-z))
        v = y * 10000.0
        v = (v + 8388608.0) - 8388608.0
        outv[pl.ds(g * D, D)] = v / 10000.0
        return carry

    lax.fori_loop(0, PW // D, finalize, 0)
    pltpu.sync_copy(outv, out_hbm.at[pl.ds(base, PW)])


@jax.jit
def _run(x2d, proj, b16):
    mesh = plsc.VectorSubcoreMesh(core_axis_name="c", subcore_axis_name="s")
    f = functools.partial(
        pl.kernel,
        out_type=jax.ShapeDtypeStruct((B,), jnp.float32),
        mesh=mesh,
        compiler_params=pltpu.CompilerParams(needs_layout_passes=False,
                                             use_tc_tiling_on_sc=False),
        scratch_types=[
            pltpu.VMEM((PW, H), jnp.int32),
            pltpu.VMEM((NBUF, HP), jnp.float32),
            pltpu.VMEM((PW * D,), jnp.float32),
            pltpu.VMEM((PW,), jnp.float32),
            pltpu.VMEM((D,), jnp.float32),
        ] + [pltpu.SemaphoreType.DMA] * NBUF,
    )(_sc_body)
    return f(x2d, proj, b16)


def kernel(x, embed_table, lin_w, lin_b):
    tab_t = embed_table.T
    w_col = jnp.reshape(lin_w, (D, 1))
    b16 = jnp.broadcast_to(lin_b, (D,))
    proj = _project(tab_t, w_col)
    y = _run(x, proj, b16)
    return jnp.reshape(y, (B, 1))

# --- scband reference (transcript-rebuilt; emitter-appended) ---
"""Pipeline reference for scband-solution-30932354465836 (READ-ONLY COPY).

The authoritative reference and input builder live on the scoring server;
editing this copy changes nothing except your own understanding.
"""

import jax, jax.numpy as jnp
import numpy as np

VOCAB = 1000000
EMBED_DIM = 16
BATCH = 16384
HIST = 200

def setup_inputs(seed: int = 0) -> dict:
    key = jax.random.key(seed)
    k1, k2, k3, k4 = jax.random.split(key, 4)
    x = jax.random.randint(k1, (BATCH, HIST), 0, VOCAB, dtype=jnp.int64 if jax.config.jax_enable_x64 else jnp.int32)
    embed_table = jax.random.normal(k2, (VOCAB, EMBED_DIM), dtype=jnp.float32)
    lin_w = jax.random.normal(k3, (1, EMBED_DIM), dtype=jnp.float32) * (1.0 / jnp.sqrt(EMBED_DIM))
    lin_b = jax.random.normal(k4, (1,), dtype=jnp.float32) * 0.01
    return {"x": x, "embed_table": embed_table, "lin_w": lin_w, "lin_b": lin_b}

def reference(x, embed_table, lin_w, lin_b):
    # Embedding lookup: gather rows of the table
    e = jnp.take(embed_table, x, axis=0)            # [B, L, 16]
    m = jnp.mean(e, axis=1)                          # [B, 16]
    y = m @ lin_w.T + lin_b                          # [B, 1]
    y = jax.nn.sigmoid(y)
    return jnp.round(y, decimals=4)

if __name__ == "__main__":
    import jax
    _d = setup_inputs()
    print(jax.jit(kernel)(*tuple(_d.values())))

</pallas_src>

<mosaic_0001>
#map = affine_map<(d0, d1) -> (0, 0)>
#map1 = affine_map<(d0, d1) -> (0)>
module attributes {stable_mosaic.version = 14 : i64} {
  func.func @_sc_body(%arg0: i32, %arg1: i32, %arg2: memref<16384x200xi32, #tpu.memory_space<hbm>>, %arg3: memref<1000000xf32, #tpu.memory_space<hbm>>, %arg4: memref<16xf32, #tpu.memory_space<hbm>>, %arg5: memref<16384xf32, #tpu.memory_space<hbm>>, %arg6: memref<512x200xi32, #tpu.memory_space<vmem>>, %arg7: memref<8x208xf32, #tpu.memory_space<vmem>>, %arg8: memref<8192xf32, #tpu.memory_space<vmem>>, %arg9: memref<512xf32, #tpu.memory_space<vmem>>, %arg10: memref<16xf32, #tpu.memory_space<vmem>>, %arg11: memref<!tpu.dma_semaphore, #tpu.memory_space<semaphore_mem>>, %arg12: memref<!tpu.dma_semaphore, #tpu.memory_space<semaphore_mem>>, %arg13: memref<!tpu.dma_semaphore, #tpu.memory_space<semaphore_mem>>, %arg14: memref<!tpu.dma_semaphore, #tpu.memory_space<semaphore_mem>>, %arg15: memref<!tpu.dma_semaphore, #tpu.memory_space<semaphore_mem>>, %arg16: memref<!tpu.dma_semaphore, #tpu.memory_space<semaphore_mem>>, %arg17: memref<!tpu.dma_semaphore, #tpu.memory_space<semaphore_mem>>, %arg18: memref<!tpu.dma_semaphore, #tpu.memory_space<semaphore_mem>>) attributes {dimension_semantics = [#tpu.dimension_semantics<core_parallel>, #tpu.dimension_semantics<subcore_parallel>], iteration_bounds = array<i64: 2, 16>, scalar_prefetch = 0 : i64, scratch_operands = 13 : i64, tpu.core_type = #tpu.core_type<sc_vector_subcore>, window_params = [{transform_indices = #map}, {transform_indices = #map1}, {transform_indices = #map1}, {transform_indices = #map1}]} {
    %mul3A = arith.constant 2 : i32
    %mul3A_0 = arith.muli %arg1, %mul3A : i32
    %add3A = arith.addi %mul3A_0, %arg0 : i32
    %mul3A_1 = arith.constant 512 : i32
    %mul3A_2 = arith.muli %add3A, %mul3A_1 : i32
    "tpu.region"() ({
      %run_scoped3A = tpu.sem_alloc : memref<!tpu.dma_semaphore, #tpu.memory_space<semaphore_mem>>
      %dma_start3A_206 = arith.constant 0 : i32
      %dma_start3A_207 = tpu.memref_slice %arg2[%mul3A_2, %dma_start3A_206] : memref<16384x200xi32, #tpu.memory_space<hbm>> -> memref<512x200xi32, #tpu.memory_space<hbm>>
      %dma_start3A_208 = arith.constant 0 : i32
      %dma_start3A_209 = tpu.memref_slice %arg2[%mul3A_2, %dma_start3A_208] : memref<16384x200xi32, #tpu.memory_space<hbm>> -> memref<512x200xi32, #tpu.memory_space<hbm>>
      tpu.enqueue_dma source(%dma_start3A_209 : memref<512x200xi32, #tpu.memory_space<hbm>>) target(%arg6 : memref<512x200xi32, #tpu.memory_space<vmem>>) target_semaphore(%run_scoped3A : memref<!tpu.dma_semaphore, #tpu.memory_space<semaphore_mem>>)
      %dma_wait3A = arith.constant 0 : i32
      %dma_wait3A_210 = tpu.memref_slice %arg2[%mul3A_2, %dma_wait3A] : memref<16384x200xi32, #tpu.memory_space<hbm>> -> memref<512x200xi32, #tpu.memory_space<hbm>>
      %dma_wait3A_211 = arith.constant 0 : i32
      %dma_wait3A_212 = tpu.memref_slice %arg2[%mul3A_2, %dma_wait3A_211] : memref<16384x200xi32, #tpu.memory_space<hbm>> -> memref<512x200xi32, #tpu.memory_space<hbm>>
      tpu.wait_dma2 semaphore(%run_scoped3A : memref<!tpu.dma_semaphore, #tpu.memory_space<semaphore_mem>>) src(%dma_wait3A_212 : memref<512x200xi32, #tpu.memory_space<hbm>>) dst(%arg6 : memref<512x200xi32, #tpu.memory_space<vmem>>)
      tpu.yield
    }) : () -> ()
    "tpu.region"() ({
      %run_scoped3A = tpu.sem_alloc : memref<!tpu.dma_semaphore, #tpu.memory_space<semaphore_mem>>
      tpu.enqueue_dma source(%arg4 : memref<16xf32, #tpu.memory_space<hbm>>) target(%arg10 : memref<16xf32, #tpu.memory_space<vmem>>) target_semaphore(%run_scoped3A : memref<!tpu.dma_semaphore, #tpu.memory_space<semaphore_mem>>)
      tpu.wait_dma2 semaphore(%run_scoped3A : memref<!tpu.dma_semaphore, #tpu.memory_space<semaphore_mem>>) src(%arg4 : memref<16xf32, #tpu.memory_space<hbm>>) dst(%arg10 : memref<16xf32, #tpu.memory_space<vmem>>)
      tpu.yield
    }) : () -> ()
    %get3A = arith.constant 0 : index
    %get3A_3 = tpu.vector_load %arg10[%get3A] {strides = array<i32>} : memref<16xf32, #tpu.memory_space<vmem>>, vector<16xf32>,
    %broadcast_in_dim3A = arith.constant 0.000000e+00 : f32
    %broadcast_in_dim3A_4 = vector.broadcast %broadcast_in_dim3A : f32 to vector<16xf32>
    %swap3A = arith.constant 0 : i32
    %swap3A_5 = arith.index_cast %swap3A : i32 to index
    %swap3A_6 = arith.constant 192 : index
    %swap3A_7 = tpu.vector_load %arg7[%swap3A_5, %swap3A_6] {strides = array<i32>} : memref<8x208xf32, #tpu.memory_space<vmem>>, vector<16xf32>,
    tpu.vector_store %arg7[%swap3A_5, %swap3A_6], %broadcast_in_dim3A_4 {strides = array<i32>} : memref<8x208xf32, #tpu.memory_space<vmem>>, vector<16xf32>,
    %swap3A_8 = arith.constant 1 : i32
    %swap3A_9 = arith.index_cast %swap3A_8 : i32 to index
    %swap3A_10 = arith.constant 192 : index
    %swap3A_11 = tpu.vector_load %arg7[%swap3A_9, %swap3A_10] {strides = array<i32>} : memref<8x208xf32, #tpu.memory_space<vmem>>, vector<16xf32>,
    tpu.vector_store %arg7[%swap3A_9, %swap3A_10], %broadcast_in_dim3A_4 {strides = array<i32>} : memref<8x208xf32, #tpu.memory_space<vmem>>, vector<16xf32>,
    %swap3A_12 = arith.constant 2 : i32
    %swap3A_13 = arith.index_cast %swap3A_12 : i32 to index
    %swap3A_14 = arith.constant 192 : index
    %swap3A_15 = tpu.vector_load %arg7[%swap3A_13, %swap3A_14] {strides = array<i32>} : memref<8x208xf32, #tpu.memory_space<vmem>>, vector<16xf32>,
    tpu.vector_store %arg7[%swap3A_13, %swap3A_14], %broadcast_in_dim3A_4 {strides = array<i32>} : memref<8x208xf32, #tpu.memory_space<vmem>>, vector<16xf32>,
    %swap3A_16 = arith.constant 3 : i32
    %swap3A_17 = arith.index_cast %swap3A_16 : i32 to index
    %swap3A_18 = arith.constant 192 : index
    %swap3A_19 = tpu.vector_load %arg7[%swap3A_17, %swap3A_18] {strides = array<i32>} : memref<8x208xf32, #tpu.memory_space<vmem>>, vector<16xf32>,
    tpu.vector_store %arg7[%swap3A_17, %swap3A_18], %broadcast_in_dim3A_4 {strides = array<i32>} : memref<8x208xf32, #tpu.memory_space<vmem>>, vector<16xf32>,
    %swap3A_20 = arith.constant 4 : i32
    %swap3A_21 = arith.index_cast %swap3A_20 : i32 to index
    %swap3A_22 = arith.constant 192 : index
    %swap3A_23 = tpu.vector_load %arg7[%swap3A_21, %swap3A_22] {strides = array<i32>} : memref<8x208xf32, #tpu.memory_space<vmem>>, vector<16xf32>,
    tpu.vector_store %arg7[%swap3A_21, %swap3A_22], %broadcast_in_dim3A_4 {strides = array<i32>} : memref<8x208xf32, #tpu.memory_space<vmem>>, vector<16xf32>,
    %swap3A_24 = arith.constant 5 : i32
    %swap3A_25 = arith.index_cast %swap3A_24 : i32 to index
    %swap3A_26 = arith.constant 192 : index
    %swap3A_27 = tpu.vector_load %arg7[%swap3A_25, %swap3A_26] {strides = array<i32>} : memref<8x208xf32, #tpu.memory_space<vmem>>, vector<16xf32>,
    tpu.vector_store %arg7[%swap3A_25, %swap3A_26], %broadcast_in_dim3A_4 {strides = array<i32>} : memref<8x208xf32, #tpu.memory_space<vmem>>, vector<16xf32>,
    %swap3A_28 = arith.constant 6 : i32
    %swap3A_29 = arith.index_cast %swap3A_28 : i32 to index
    %swap3A_30 = arith.constant 192 : index
    %swap3A_31 = tpu.vector_load %arg7[%swap3A_29, %swap3A_30] {strides = array<i32>} : memref<8x208xf32, #tpu.memory_space<vmem>>, vector<16xf32>,
    tpu.vector_store %arg7[%swap3A_29, %swap3A_30], %broadcast_in_dim3A_4 {strides = array<i32>} : memref<8x208xf32, #tpu.memory_space<vmem>>, vector<16xf32>,
    %swap3A_32 = arith.constant 7 : i32
    %swap3A_33 = arith.index_cast %swap3A_32 : i32 to index
    %swap3A_34 = arith.constant 192 : index
    %swap3A_35 = tpu.vector_load %arg7[%swap3A_33, %swap3A_34] {strides = array<i32>} : memref<8x208xf32, #tpu.memory_space<vmem>>, vector<16xf32>,
    tpu.vector_store %arg7[%swap3A_33, %swap3A_34], %broadcast_in_dim3A_4 {strides = array<i32>} : memref<8x208xf32, #tpu.memory_space<vmem>>, vector<16xf32>,
    %dma_start3A = arith.constant 0 : i32
    %dma_start3A_36 = arith.constant 0 : i32
    %dma_start3A_37 = arith.constant 0 : i32
    %dma_start3A_38 = tpu.memref_slice %arg7[%dma_start3A_36, %dma_start3A_37] : memref<8x208xf32, #tpu.memory_space<vmem>> -> memref<1x104xf32, #tpu.memory_space<vmem>>
    %dma_start3A_39 = tpu.memref_squeeze %dma_start3A_38 : memref<1x104xf32, #tpu.memory_space<vmem>> -> memref<104xf32, #tpu.memory_space<vmem>>
    %dma_start3A_40 = arith.constant 0 : i32
    %dma_start3A_41 = tpu.memref_slice %arg6[%dma_start3A, %dma_start3A_40] : memref<512x200xi32, #tpu.memory_space<vmem>> -> memref<1x104xi32, #tpu.memory_space<vmem>>
    %dma_start3A_42 = tpu.memref_squeeze %dma_start3A_41 : memref<1x104xi32, #tpu.memory_space<vmem>> -> memref<104xi32, #tpu.memory_space<vmem>>
    %dma_start3A_43 = arith.constant 0 : i32
    %dma_start3A_44 = tpu.memref_slice %arg3[%dma_start3A_43] : memref<1000000xf32, #tpu.memory_space<hbm>> -> memref<1000000xf32, #tpu.memory_space<hbm>>
    tpu.enqueue_indirect_dma source(%dma_start3A_44 : memref<1000000xf32, #tpu.memory_space<hbm>>) target(%dma_start3A_39 : memref<104xf32, #tpu.memory_space<vmem>>) offsets(%dma_start3A_42 : memref<104xi32, #tpu.memory_space<vmem>>) semaphore(%arg11 : memref<!tpu.dma_semaphore, #tpu.memory_space<semaphore_mem>>)
    %dma_start3A_45 = arith.constant 0 : i32
    %dma_start3A_46 = arith.constant 0 : i32
    %dma_start3A_47 = arith.constant 104 : i32
    %dma_start3A_48 = tpu.memref_slice %arg7[%dma_start3A_46, %dma_start3A_47] : memref<8x208xf32, #tpu.memory_space<vmem>> -> memref<1x96xf32, #tpu.memory_space<vmem>>
    %dma_start3A_49 = tpu.memref_squeeze %dma_start3A_48 : memref<1x96xf32, #tpu.memory_space<vmem>> -> memref<96xf32, #tpu.memory_space<vmem>>
    %dma_start3A_50 = arith.constant 104 : i32
    %dma_start3A_51 = tpu.memref_slice %arg6[%dma_start3A_45, %dma_start3A_50] : memref<512x200xi32, #tpu.memory_space<vmem>> -> memref<1x96xi32, #tpu.memory_space<vmem>>
    %dma_start3A_52 = tpu.memref_squeeze %dma_start3A_51 : memref<1x96xi32, #tpu.memory_space<vmem>> -> memref<96xi32, #tpu.memory_space<vmem>>
    %dma_start3A_53 = arith.constant 0 : i32
    %dma_start3A_54 = tpu.memref_slice %arg3[%dma_start3A_53] : memref<1000000xf32, #tpu.memory_space<hbm>> -> memref<1000000xf32, #tpu.memory_space<hbm>>
    tpu.enqueue_indirect_dma source(%dma_start3A_54 : memref<1000000xf32, #tpu.memory_space<hbm>>) target(%dma_start3A_49 : memref<96xf32, #tpu.memory_space<vmem>>) offsets(%dma_start3A_52 : memref<96xi32, #tpu.memory_space<vmem>>) semaphore(%arg11 : memref<!tpu.dma_semaphore, #tpu.memory_space<semaphore_mem>>)
    %dma_start3A_55 = arith.constant 1 : i32
    %dma_start3A_56 = arith.constant 1 : i32
    %dma_start3A_57 = arith.constant 0 : i32
    %dma_start3A_58 = tpu.memref_slice %arg7[%dma_start3A_56, %dma_start3A_57] : memref<8x208xf32, #tpu.memory_space<vmem>> -> memref<1x104xf32, #tpu.memory_space<vmem>>
    %dma_start3A_59 = tpu.memref_squeeze %dma_start3A_58 : memref<1x104xf32, #tpu.memory_space<vmem>> -> memref<104xf32, #tpu.memory_space<vmem>>
    %dma_start3A_60 = arith.constant 0 : i32
    %dma_start3A_61 = tpu.memref_slice %arg6[%dma_start3A_55, %dma_start3A_60] : memref<512x200xi32, #tpu.memory_space<vmem>> -> memref<1x104xi32, #tpu.memory_space<vmem>>
    %dma_start3A_62 = tpu.memref_squeeze %dma_start3A_61 : memref<1x104xi32, #tpu.memory_space<vmem>> -> memref<104xi32, #tpu.memory_space<vmem>>
    %dma_start3A_63 = arith.constant 0 : i32
    %dma_start3A_64 = tpu.memref_slice %arg3[%dma_start3A_63] : memref<1000000xf32, #tpu.memory_space<hbm>> -> memref<1000000xf32, #tpu.memory_space<hbm>>
    tpu.enqueue_indirect_dma source(%dma_start3A_64 : memref<1000000xf32, #tpu.memory_space<hbm>>) target(%dma_start3A_59 : memref<104xf32, #tpu.memory_space<vmem>>) offsets(%dma_start3A_62 : memref<104xi32, #tpu.memory_space<vmem>>) semaphore(%arg12 : memref<!tpu.dma_semaphore, #tpu.memory_space<semaphore_mem>>)
    %dma_start3A_65 = arith.constant 1 : i32
    %dma_start3A_66 = arith.constant 1 : i32
    %dma_start3A_67 = arith.constant 104 : i32
    %dma_start3A_68 = tpu.memref_slice %arg7[%dma_start3A_66, %dma_start3A_67] : memref<8x208xf32, #tpu.memory_space<vmem>> -> memref<1x96xf32, #tpu.memory_space<vmem>>
    %dma_start3A_69 = tpu.memref_squeeze %dma_start3A_68 : memref<1x96xf32, #tpu.memory_space<vmem>> -> memref<96xf32, #tpu.memory_space<vmem>>
    %dma_start3A_70 = arith.constant 104 : i32
    %dma_start3A_71 = tpu.memref_slice %arg6[%dma_start3A_65, %dma_start3A_70] : memref<512x200xi32, #tpu.memory_space<vmem>> -> memref<1x96xi32, #tpu.memory_space<vmem>>
    %dma_start3A_72 = tpu.memref_squeeze %dma_start3A_71 : memref<1x96xi32, #tpu.memory_space<vmem>> -> memref<96xi32, #tpu.memory_space<vmem>>
    %dma_start3A_73 = arith.constant 0 : i32
    %dma_start3A_74 = tpu.memref_slice %arg3[%dma_start3A_73] : memref<1000000xf32, #tpu.memory_space<hbm>> -> memref<1000000xf32, #tpu.memory_space<hbm>>
    tpu.enqueue_indirect_dma source(%dma_start3A_74 : memref<1000000xf32, #tpu.memory_space<hbm>>) target(%dma_start3A_69 : memref<96xf32, #tpu.memory_space<vmem>>) offsets(%dma_start3A_72 : memref<96xi32, #tpu.memory_space<vmem>>) semaphore(%arg12 : memref<!tpu.dma_semaphore, #tpu.memory_space<semaphore_mem>>)
    %dma_start3A_75 = arith.constant 2 : i32
    %dma_start3A_76 = arith.constant 2 : i32
    %dma_start3A_77 = arith.constant 0 : i32
    %dma_start3A_78 = tpu.memref_slice %arg7[%dma_start3A_76, %dma_start3A_77] : memref<8x208xf32, #tpu.memory_space<vmem>> -> memref<1x104xf32, #tpu.memory_space<vmem>>
    %dma_start3A_79 = tpu.memref_squeeze %dma_start3A_78 : memref<1x104xf32, #tpu.memory_space<vmem>> -> memref<104xf32, #tpu.memory_space<vmem>>
    %dma_start3A_80 = arith.constant 0 : i32
    %dma_start3A_81 = tpu.memref_slice %arg6[%dma_start3A_75, %dma_start3A_80] : memref<512x200xi32, #tpu.memory_space<vmem>> -> memref<1x104xi32, #tpu.memory_space<vmem>>
    %dma_start3A_82 = tpu.memref_squeeze %dma_start3A_81 : memref<1x104xi32, #tpu.memory_space<vmem>> -> memref<104xi32, #tpu.memory_space<vmem>>
    %dma_start3A_83 = arith.constant 0 : i32
    %dma_start3A_84 = tpu.memref_slice %arg3[%dma_start3A_83] : memref<1000000xf32, #tpu.memory_space<hbm>> -> memref<1000000xf32, #tpu.memory_space<hbm>>
    tpu.enqueue_indirect_dma source(%dma_start3A_84 : memref<1000000xf32, #tpu.memory_space<hbm>>) target(%dma_start3A_79 : memref<104xf32, #tpu.memory_space<vmem>>) offsets(%dma_start3A_82 : memref<104xi32, #tpu.memory_space<vmem>>) semaphore(%arg13 : memref<!tpu.dma_semaphore, #tpu.memory_space<semaphore_mem>>)
    %dma_start3A_85 = arith.constant 2 : i32
    %dma_start3A_86 = arith.constant 2 : i32
    %dma_start3A_87 = arith.constant 104 : i32
    %dma_start3A_88 = tpu.memref_slice %arg7[%dma_start3A_86, %dma_start3A_87] : memref<8x208xf32, #tpu.memory_space<vmem>> -> memref<1x96xf32, #tpu.memory_space<vmem>>
    %dma_start3A_89 = tpu.memref_squeeze %dma_start3A_88 : memref<1x96xf32, #tpu.memory_space<vmem>> -> memref<96xf32, #tpu.memory_space<vmem>>
    %dma_start3A_90 = arith.constant 104 : i32
    %dma_start3A_91 = tpu.memref_slice %arg6[%dma_start3A_85, %dma_start3A_90] : memref<512x200xi32, #tpu.memory_space<vmem>> -> memref<1x96xi32, #tpu.memory_space<vmem>>
    %dma_start3A_92 = tpu.memref_squeeze %dma_start3A_91 : memref<1x96xi32, #tpu.memory_space<vmem>> -> memref<96xi32, #tpu.memory_space<vmem>>
    %dma_start3A_93 = arith.constant 0 : i32
    %dma_start3A_94 = tpu.memref_slice %arg3[%dma_start3A_93] : memref<1000000xf32, #tpu.memory_space<hbm>> -> memref<1000000xf32, #tpu.memory_space<hbm>>
    tpu.enqueue_indirect_dma source(%dma_start3A_94 : memref<1000000xf32, #tpu.memory_space<hbm>>) target(%dma_start3A_89 : memref<96xf32, #tpu.memory_space<vmem>>) offsets(%dma_start3A_92 : memref<96xi32, #tpu.memory_space<vmem>>) semaphore(%arg13 : memref<!tpu.dma_semaphore, #tpu.memory_space<semaphore_mem>>)
    %dma_start3A_95 = arith.constant 3 : i32
    %dma_start3A_96 = arith.constant 3 : i32
    %dma_start3A_97 = arith.constant 0 : i32
    %dma_start3A_98 = tpu.memref_slice %arg7[%dma_start3A_96, %dma_start3A_97] : memref<8x208xf32, #tpu.memory_space<vmem>> -> memref<1x104xf32, #tpu.memory_space<vmem>>
    %dma_start3A_99 = tpu.memref_squeeze %dma_start3A_98 : memref<1x104xf32, #tpu.memory_space<vmem>> -> memref<104xf32, #tpu.memory_space<vmem>>
    %dma_start3A_100 = arith.constant 0 : i32
    %dma_start3A_101 = tpu.memref_slice %arg6[%dma_start3A_95, %dma_start3A_100] : memref<512x200xi32, #tpu.memory_space<vmem>> -> memref<1x104xi32, #tpu.memory_space<vmem>>
    %dma_start3A_102 = tpu.memref_squeeze %dma_start3A_101 : memref<1x104xi32, #tpu.memory_space<vmem>> -> memref<104xi32, #tpu.memory_space<vmem>>
    %dma_start3A_103 = arith.constant 0 : i32
    %dma_start3A_104 = tpu.memref_slice %arg3[%dma_start3A_103] : memref<1000000xf32, #tpu.memory_space<hbm>> -> memref<1000000xf32, #tpu.memory_space<hbm>>
    tpu.enqueue_indirect_dma source(%dma_start3A_104 : memref<1000000xf32, #tpu.memory_space<hbm>>) target(%dma_start3A_99 : memref<104xf32, #tpu.memory_space<vmem>>) offsets(%dma_start3A_102 : memref<104xi32, #tpu.memory_space<vmem>>) semaphore(%arg14 : memref<!tpu.dma_semaphore, #tpu.memory_space<semaphore_mem>>)
    %dma_start3A_105 = arith.constant 3 : i32
    %dma_start3A_106 = arith.constant 3 : i32
    %dma_start3A_107 = arith.constant 104 : i32
    %dma_start3A_108 = tpu.memref_slice %arg7[%dma_start3A_106, %dma_start3A_107] : memref<8x208xf32, #tpu.memory_space<vmem>> -> memref<1x96xf32, #tpu.memory_space<vmem>>
    %dma_start3A_109 = tpu.memref_squeeze %dma_start3A_108 : memref<1x96xf32, #tpu.memory_space<vmem>> -> memref<96xf32, #tpu.memory_space<vmem>>
    %dma_start3A_110 = arith.constant 104 : i32
    %dma_start3A_111 = tpu.memref_slice %arg6[%dma_start3A_105, %dma_start3A_110] : memref<512x200xi32, #tpu.memory_space<vmem>> -> memref<1x96xi32, #tpu.memory_space<vmem>>
    %dma_start3A_112 = tpu.memref_squeeze %dma_start3A_111 : memref<1x96xi32, #tpu.memory_space<vmem>> -> memref<96xi32, #tpu.memory_space<vmem>>
    %dma_start3A_113 = arith.constant 0 : i32
    %dma_start3A_114 = tpu.memref_slice %arg3[%dma_start3A_113] : memref<1000000xf32, #tpu.memory_space<hbm>> -> memref<1000000xf32, #tpu.memory_space<hbm>>
    tpu.enqueue_indirect_dma source(%dma_start3A_114 : memref<1000000xf32, #tpu.memory_space<hbm>>) target(%dma_start3A_109 : memref<96xf32, #tpu.memory_space<vmem>>) offsets(%dma_start3A_112 : memref<96xi32, #tpu.memory_space<vmem>>) semaphore(%arg14 : memref<!tpu.dma_semaphore, #tpu.memory_space<semaphore_mem>>)
    %dma_start3A_115 = arith.constant 4 : i32
    %dma_start3A_116 = arith.constant 4 : i32
    %dma_start3A_117 = arith.constant 0 : i32
    %dma_start3A_118 = tpu.memref_slice %arg7[%dma_start3A_116, %dma_start3A_117] : memref<8x208xf32, #tpu.memory_space<vmem>> -> memref<1x104xf32, #tpu.memory_space<vmem>>
    %dma_start3A_119 = tpu.memref_squeeze %dma_start3A_118 : memref<1x104xf32, #tpu.memory_space<vmem>> -> memref<104xf32, #tpu.memory_space<vmem>>
    %dma_start3A_120 = arith.constant 0 : i32
    %dma_start3A_121 = tpu.memref_slice %arg6[%dma_start3A_115, %dma_start3A_120] : memref<512x200xi32, #tpu.memory_space<vmem>> -> memref<1x104xi32, #tpu.memory_space<vmem>>
    %dma_start3A_122 = tpu.memref_squeeze %dma_start3A_121 : memref<1x104xi32, #tpu.memory_space<vmem>> -> memref<104xi32, #tpu.memory_space<vmem>>
    %dma_start3A_123 = arith.constant 0 : i32
    %dma_start3A_124 = tpu.memref_slice %arg3[%dma_start3A_123] : memref<1000000xf32, #tpu.memory_space<hbm>> -> memref<1000000xf32, #tpu.memory_space<hbm>>
    tpu.enqueue_indirect_dma source(%dma_start3A_124 : memref<1000000xf32, #tpu.memory_space<hbm>>) target(%dma_start3A_119 : memref<104xf32, #tpu.memory_space<vmem>>) offsets(%dma_start3A_122 : memref<104xi32, #tpu.memory_space<vmem>>) semaphore(%arg15 : memref<!tpu.dma_semaphore, #tpu.memory_space<semaphore_mem>>)
    %dma_start3A_125 = arith.constant 4 : i32
    %dma_start3A_126 = arith.constant 4 : i32
    %dma_start3A_127 = arith.constant 104 : i32
    %dma_start3A_128 = tpu.memref_slice %arg7[%dma_start3A_126, %dma_start3A_127] : memref<8x208xf32, #tpu.memory_space<vmem>> -> memref<1x96xf32, #tpu.memory_space<vmem>>
    %dma_start3A_129 = tpu.memref_squeeze %dma_start3A_128 : memref<1x96xf32, #tpu.memory_space<vmem>> -> memref<96xf32, #tpu.memory_space<vmem>>
    %dma_start3A_130 = arith.constant 104 : i32
    %dma_start3A_131 = tpu.memref_slice %arg6[%dma_start3A_125, %dma_start3A_130] : memref<512x200xi32, #tpu.memory_space<vmem>> -> memref<1x96xi32, #tpu.memory_space<vmem>>
    %dma_start3A_132 = tpu.memref_squeeze %dma_start3A_131 : memref<1x96xi32, #tpu.memory_space<vmem>> -> memref<96xi32, #tpu.memory_space<vmem>>
    %dma_start3A_133 = arith.constant 0 : i32
    %dma_start3A_134 = tpu.memref_slice %arg3[%dma_start3A_133] : memref<1000000xf32, #tpu.memory_space<hbm>> -> memref<1000000xf32, #tpu.memory_space<hbm>>
    tpu.enqueue_indirect_dma source(%dma_start3A_134 : memref<1000000xf32, #tpu.memory_space<hbm>>) target(%dma_start3A_129 : memref<96xf32, #tpu.memory_space<vmem>>) offsets(%dma_start3A_132 : memref<96xi32, #tpu.memory_space<vmem>>) semaphore(%arg15 : memref<!tpu.dma_semaphore, #tpu.memory_space<semaphore_mem>>)
    %dma_start3A_135 = arith.constant 5 : i32
    %dma_start3A_136 = arith.constant 5 : i32
    %dma_start3A_137 = arith.constant 0 : i32
    %dma_start3A_138 = tpu.memref_slice %arg7[%dma_start3A_136, %dma_start3A_137] : memref<8x208xf32, #tpu.memory_space<vmem>> -> memref<1x104xf32, #tpu.memory_space<vmem>>
    %dma_start3A_139 = tpu.memref_squeeze %dma_start3A_138 : memref<1x104xf32, #tpu.memory_space<vmem>> -> memref<104xf32, #tpu.memory_space<vmem>>
    %dma_start3A_140 = arith.constant 0 : i32
    %dma_start3A_141 = tpu.memref_slice %arg6[%dma_start3A_135, %dma_start3A_140] : memref<512x200xi32, #tpu.memory_space<vmem>> -> memref<1x104xi32, #tpu.memory_space<vmem>>
    %dma_start3A_142 = tpu.memref_squeeze %dma_start3A_141 : memref<1x104xi32, #tpu.memory_space<vmem>> -> memref<104xi32, #tpu.memory_space<vmem>>
    %dma_start3A_143 = arith.constant 0 : i32
    %dma_start3A_144 = tpu.memref_slice %arg3[%dma_start3A_143] : memref<1000000xf32, #tpu.memory_space<hbm>> -> memref<1000000xf32, #tpu.memory_space<hbm>>
    tpu.enqueue_indirect_dma source(%dma_start3A_144 : memref<1000000xf32, #tpu.memory_space<hbm>>) target(%dma_start3A_139 : memref<104xf32, #tpu.memory_space<vmem>>) offsets(%dma_start3A_142 : memref<104xi32, #tpu.memory_space<vmem>>) semaphore(%arg16 : memref<!tpu.dma_semaphore, #tpu.memory_space<semaphore_mem>>)
    %dma_start3A_145 = arith.constant 5 : i32
    %dma_start3A_146 = arith.constant 5 : i32
    %dma_start3A_147 = arith.constant 104 : i32
    %dma_start3A_148 = tpu.memref_slice %arg7[%dma_start3A_146, %dma_start3A_147] : memref<8x208xf32, #tpu.memory_space<vmem>> -> memref<1x96xf32, #tpu.memory_space<vmem>>
    %dma_start3A_149 = tpu.memref_squeeze %dma_start3A_148 : memref<1x96xf32, #tpu.memory_space<vmem>> -> memref<96xf32, #tpu.memory_space<vmem>>
    %dma_start3A_150 = arith.constant 104 : i32
    %dma_start3A_151 = tpu.memref_slice %arg6[%dma_start3A_145, %dma_start3A_150] : memref<512x200xi32, #tpu.memory_space<vmem>> -> memref<1x96xi32, #tpu.memory_space<vmem>>
    %dma_start3A_152 = tpu.memref_squeeze %dma_start3A_151 : memref<1x96xi32, #tpu.memory_space<vmem>> -> memref<96xi32, #tpu.memory_space<vmem>>
    %dma_start3A_153 = arith.constant 0 : i32
    %dma_start3A_154 = tpu.memref_slice %arg3[%dma_start3A_153] : memref<1000000xf32, #tpu.memory_space<hbm>> -> memref<1000000xf32, #tpu.memory_space<hbm>>
    tpu.enqueue_indirect_dma source(%dma_start3A_154 : memref<1000000xf32, #tpu.memory_space<hbm>>) target(%dma_start3A_149 : memref<96xf32, #tpu.memory_space<vmem>>) offsets(%dma_start3A_152 : memref<96xi32, #tpu.memory_space<vmem>>) semaphore(%arg16 : memref<!tpu.dma_semaphore, #tpu.memory_space<semaphore_mem>>)
    %dma_start3A_155 = arith.constant 6 : i32
    %dma_start3A_156 = arith.constant 6 : i32
    %dma_start3A_157 = arith.constant 0 : i32
    %dma_start3A_158 = tpu.memref_slice %arg7[%dma_start3A_156, %dma_start3A_157] : memref<8x208xf32, #tpu.memory_space<vmem>> -> memref<1x104xf32, #tpu.memory_space<vmem>>
    %dma_start3A_159 = tpu.memref_squeeze %dma_start3A_158 : memref<1x104xf32, #tpu.memory_space<vmem>> -> memref<104xf32, #tpu.memory_space<vmem>>
    %dma_start3A_160 = arith.constant 0 : i32
    %dma_start3A_161 = tpu.memref_slice %arg6[%dma_start3A_155, %dma_start3A_160] : memref<512x200xi32, #tpu.memory_space<vmem>> -> memref<1x104xi32, #tpu.memory_space<vmem>>
    %dma_start3A_162 = tpu.memref_squeeze %dma_start3A_161 : memref<1x104xi32, #tpu.memory_space<vmem>> -> memref<104xi32, #tpu.memory_space<vmem>>
    %dma_start3A_163 = arith.constant 0 : i32
    %dma_start3A_164 = tpu.memref_slice %arg3[%dma_start3A_163] : memref<1000000xf32, #tpu.memory_space<hbm>> -> memref<1000000xf32, #tpu.memory_space<hbm>>
    tpu.enqueue_indirect_dma source(%dma_start3A_164 : memref<1000000xf32, #tpu.memory_space<hbm>>) target(%dma_start3A_159 : memref<104xf32, #tpu.memory_space<vmem>>) offsets(%dma_start3A_162 : memref<104xi32, #tpu.memory_space<vmem>>) semaphore(%arg17 : memref<!tpu.dma_semaphore, #tpu.memory_space<semaphore_mem>>)
    %dma_start3A_165 = arith.constant 6 : i32
    %dma_start3A_166 = arith.constant 6 : i32
    %dma_start3A_167 = arith.constant 104 : i32
    %dma_start3A_168 = tpu.memref_slice %arg7[%dma_start3A_166, %dma_start3A_167] : memref<8x208xf32, #tpu.memory_space<vmem>> -> memref<1x96xf32, #tpu.memory_space<vmem>>
    %dma_start3A_169 = tpu.memref_squeeze %dma_start3A_168 : memref<1x96xf32, #tpu.memory_space<vmem>> -> memref<96xf32, #tpu.memory_space<vmem>>
    %dma_start3A_170 = arith.constant 104 : i32
    %dma_start3A_171 = tpu.memref_slice %arg6[%dma_start3A_165, %dma_start3A_170] : memref<512x200xi32, #tpu.memory_space<vmem>> -> memref<1x96xi32, #tpu.memory_space<vmem>>
    %dma_start3A_172 = tpu.memref_squeeze %dma_start3A_171 : memref<1x96xi32, #tpu.memory_space<vmem>> -> memref<96xi32, #tpu.memory_space<vmem>>
    %dma_start3A_173 = arith.constant 0 : i32
    %dma_start3A_174 = tpu.memref_slice %arg3[%dma_start3A_173] : memref<1000000xf32, #tpu.memory_space<hbm>> -> memref<1000000xf32, #tpu.memory_space<hbm>>
    tpu.enqueue_indirect_dma source(%dma_start3A_174 : memref<1000000xf32, #tpu.memory_space<hbm>>) target(%dma_start3A_169 : memref<96xf32, #tpu.memory_space<vmem>>) offsets(%dma_start3A_172 : memref<96xi32, #tpu.memory_space<vmem>>) semaphore(%arg17 : memref<!tpu.dma_semaphore, #tpu.memory_space<semaphore_mem>>)
    %dma_start3A_175 = arith.constant 7 : i32
    %dma_start3A_176 = arith.constant 7 : i32
    %dma_start3A_177 = arith.constant 0 : i32
    %dma_start3A_178 = tpu.memref_slice %arg7[%dma_start3A_176, %dma_start3A_177] : memref<8x208xf32, #tpu.memory_space<vmem>> -> memref<1x104xf32, #tpu.memory_space<vmem>>
    %dma_start3A_179 = tpu.memref_squeeze %dma_start3A_178 : memref<1x104xf32, #tpu.memory_space<vmem>> -> memref<104xf32, #tpu.memory_space<vmem>>
    %dma_start3A_180 = arith.constant 0 : i32
    %dma_start3A_181 = tpu.memref_slice %arg6[%dma_start3A_175, %dma_start3A_180] : memref<512x200xi32, #tpu.memory_space<vmem>> -> memref<1x104xi32, #tpu.memory_space<vmem>>
    %dma_start3A_182 = tpu.memref_squeeze %dma_start3A_181 : memref<1x104xi32, #tpu.memory_space<vmem>> -> memref<104xi32, #tpu.memory_space<vmem>>
    %dma_start3A_183 = arith.constant 0 : i32
    %dma_start3A_184 = tpu.memref_slice %arg3[%dma_start3A_183] : memref<1000000xf32, #tpu.memory_space<hbm>> -> memref<1000000xf32, #tpu.memory_space<hbm>>
    tpu.enqueue_indirect_dma source(%dma_start3A_184 : memref<1000000xf32, #tpu.memory_space<hbm>>) target(%dma_start3A_179 : memref<104xf32, #tpu.memory_space<vmem>>) offsets(%dma_start3A_182 : memref<104xi32, #tpu.memory_space<vmem>>) semaphore(%arg18 : memref<!tpu.dma_semaphore, #tpu.memory_space<semaphore_mem>>)
    %dma_start3A_185 = arith.constant 7 : i32
    %dma_start3A_186 = arith.constant 7 : i32
    %dma_start3A_187 = arith.constant 104 : i32
    %dma_start3A_188 = tpu.memref_slice %arg7[%dma_start3A_186, %dma_start3A_187] : memref<8x208xf32, #tpu.memory_space<vmem>> -> memref<1x96xf32, #tpu.memory_space<vmem>>
    %dma_start3A_189 = tpu.memref_squeeze %dma_start3A_188 : memref<1x96xf32, #tpu.memory_space<vmem>> -> memref<96xf32, #tpu.memory_space<vmem>>
    %dma_start3A_190 = arith.constant 104 : i32
    %dma_start3A_191 = tpu.memref_slice %arg6[%dma_start3A_185, %dma_start3A_190] : memref<512x200xi32, #tpu.memory_space<vmem>> -> memref<1x96xi32, #tpu.memory_space<vmem>>
    %dma_start3A_192 = tpu.memref_squeeze %dma_start3A_191 : memref<1x96xi32, #tpu.memory_space<vmem>> -> memref<96xi32, #tpu.memory_space<vmem>>
    %dma_start3A_193 = arith.constant 0 : i32
    %dma_start3A_194 = tpu.memref_slice %arg3[%dma_start3A_193] : memref<1000000xf32, #tpu.memory_space<hbm>> -> memref<1000000xf32, #tpu.memory_space<hbm>>
    tpu.enqueue_indirect_dma source(%dma_start3A_194 : memref<1000000xf32, #tpu.memory_space<hbm>>) target(%dma_start3A_189 : memref<96xf32, #tpu.memory_space<vmem>>) offsets(%dma_start3A_192 : memref<96xi32, #tpu.memory_space<vmem>>) semaphore(%arg18 : memref<!tpu.dma_semaphore, #tpu.memory_space<semaphore_mem>>)
    %scan3A = arith.constant 0 : i32
    %scan3A_195 = arith.constant 0 : i32
    %scan3A_196 = arith.constant 64 : i32
    %scan3A_197 = arith.addi %scan3A_195, %scan3A_196 : i32
    %scan3A_198 = arith.constant 1 : i32
    scf.for %scan3A_206 = %scan3A_195 to %scan3A_197 step %scan3A_198  : i32 {
      %mul3A_207 = arith.constant 8 : i32
      %mul3A_208 = arith.muli %scan3A_206, %mul3A_207 : i32
      %add3A_209 = arith.constant 0 : i32
      %add3A_210 = arith.addi %mul3A_208, %add3A_209 : i32
      %dma_wait3A = arith.constant 0 : i32
      %dma_wait3A_211 = arith.constant 0 : i32
      %dma_wait3A_212 = tpu.memref_slice %arg7[%dma_wait3A, %dma_wait3A_211] : memref<8x208xf32, #tpu.memory_space<vmem>> -> memref<1x200xf32, #tpu.memory_space<vmem>>
      %dma_wait3A_213 = tpu.memref_squeeze %dma_wait3A_212 : memref<1x200xf32, #tpu.memory_space<vmem>> -> memref<200xf32, #tpu.memory_space<vmem>>
      %dma_wait3A_214 = arith.constant 0 : i32
      %dma_wait3A_215 = tpu.memref_slice %arg3[%dma_wait3A_214] : memref<1000000xf32, #tpu.memory_space<hbm>> -> memref<200xf32, #tpu.memory_space<hbm>>
      %dma_wait3A_216 = arith.constant 0 : i32
      %dma_wait3A_217 = tpu.memref_slice %arg7[%dma_wait3A, %dma_wait3A_216] : memref<8x208xf32, #tpu.memory_space<vmem>> -> memref<1x200xf32, #tpu.memory_space<vmem>>
      %dma_wait3A_218 = tpu.memref_squeeze %dma_wait3A_217 : memref<1x200xf32, #tpu.memory_space<vmem>> -> memref<200xf32, #tpu.memory_space<vmem>>
      %dma_wait3A_219 = arith.constant 0 : i32
      %dma_wait3A_220 = tpu.memref_slice %arg3[%dma_wait3A_219] : memref<1000000xf32, #tpu.memory_space<hbm>> -> memref<200xf32, #tpu.memory_space<hbm>>
      tpu.wait_dma2 semaphore(%arg11 : memref<!tpu.dma_semaphore, #tpu.memory_space<semaphore_mem>>) src(%dma_wait3A_220 : memref<200xf32, #tpu.memory_space<hbm>>) dst(%dma_wait3A_218 : memref<200xf32, #tpu.memory_space<vmem>>)
      %get3A_221 = arith.constant 0 : i32
      %get3A_222 = arith.index_cast %get3A_221 : i32 to index
      %get3A_223 = arith.constant 0 : index
      %get3A_224 = tpu.vector_load %arg7[%get3A_222, %get3A_223] {strides = array<i32>} : memref<8x208xf32, #tpu.memory_space<vmem>>, vector<16xf32>,
      %add3A_225 = arith.addf %broadcast_in_dim3A_4, %get3A_224 : vector<16xf32>
      %get3A_226 = arith.constant 0 : i32
      %get3A_227 = arith.index_cast %get3A_226 : i32 to index
      %get3A_228 = arith.constant 16 : index
      %get3A_229 = tpu.vector_load %arg7[%get3A_227, %get3A_228] {strides = array<i32>} : memref<8x208xf32, #tpu.memory_space<vmem>>, vector<16xf32>,
      %add3A_230 = arith.addf %add3A_225, %get3A_229 : vector<16xf32>
      %get3A_231 = arith.constant 0 : i32
      %get3A_232 = arith.index_cast %get3A_231 : i32 to index
      %get3A_233 = arith.constant 32 : index
      %get3A_234 = tpu.vector_load %arg7[%get3A_232, %get3A_233] {strides = array<i32>} : memref<8x208xf32, #tpu.memory_space<vmem>>, vector<16xf32>,
      %add3A_235 = arith.addf %add3A_230, %get3A_234 : vector<16xf32>
      %get3A_236 = arith.constant 0 : i32
      %get3A_237 = arith.index_cast %get3A_236 : i32 to index
      %get3A_238 = arith.constant 48 : index
      %get3A_239 = tpu.vector_load %arg7[%get3A_237, %get3A_238] {strides = array<i32>} : memref<8x208xf32, #tpu.memory_space<vmem>>, vector<16xf32>,
      %add3A_240 = arith.addf %add3A_235, %get3A_239 : vector<16xf32>
      %get3A_241 = arith.constant 0 : i32
      %get3A_242 = arith.index_cast %get3A_241 : i32 to index
      %get3A_243 = arith.constant 64 : index
      %get3A_244 = tpu.vector_load %arg7[%get3A_242, %get3A_243] {strides = array<i32>} : memref<8x208xf32, #tpu.memory_space<vmem>>, vector<16xf32>,
      %add3A_245 = arith.addf %add3A_240, %get3A_244 : vector<16xf32>
      %get3A_246 = arith.constant 0 : i32
      %get3A_247 = arith.index_cast %get3A_246 : i32 to index
      %get3A_248 = arith.constant 80 : index
      %get3A_249 = tpu.vector_load %arg7[%get3A_247, %get3A_248] {strides = array<i32>} : memref<8x208xf32, #tpu.memory_space<vmem>>, vector<16xf32>,
      %add3A_250 = arith.addf %add3A_245, %get3A_249 : vector<16xf32>
      %get3A_251 = arith.constant 0 : i32
      %get3A_252 = arith.index_cast %get3A_251 : i32 to index
      %get3A_253 = arith.constant 96 : index
      %get3A_254 = tpu.vector_load %arg7[%get3A_252, %get3A_253] {strides = array<i32>} : memref<8x208xf32, #tpu.memory_space<vmem>>, vector<16xf32>,
      %add3A_255 = arith.addf %add3A_250, %get3A_254 : vector<16xf32>
      %get3A_256 = arith.constant 0 : i32
      %get3A_257 = arith.index_cast %get3A_256 : i32 to index
      %get3A_258 = arith.constant 112 : index
      %get3A_259 = tpu.vector_load %arg7[%get3A_257, %get3A_258] {strides = array<i32>} : memref<8x208xf32, #tpu.memory_space<vmem>>, vector<16xf32>,
      %add3A_260 = arith.addf %add3A_255, %get3A_259 : vector<16xf32>
      %get3A_261 = arith.constant 0 : i32
      %get3A_262 = arith.index_cast %get3A_261 : i32 to index
      %get3A_263 = arith.constant 128 : index
      %get3A_264 = tpu.vector_load %arg7[%get3A_262, %get3A_263] {strides = array<i32>} : memref<8x208xf32, #tpu.memory_space<vmem>>, vector<16xf32>,
      %add3A_265 = arith.addf %add3A_260, %get3A_264 : vector<16xf32>
      %get3A_266 = arith.constant 0 : i32
      %get3A_267 = arith.index_cast %get3A_266 : i32 to index
      %get3A_268 = arith.constant 144 : index
      %get3A_269 = tpu.vector_load %arg7[%get3A_267, %get3A_268] {strides = array<i32>} : memref<8x208xf32, #tpu.memory_space<vmem>>, vector<16xf32>,
      %add3A_270 = arith.addf %add3A_265, %get3A_269 : vector<16xf32>
      %get3A_271 = arith.constant 0 : i32
      %get3A_272 = arith.index_cast %get3A_271 : i32 to index
      %get3A_273 = arith.constant 160 : index
      %get3A_274 = tpu.vector_load %arg7[%get3A_272, %get3A_273] {strides = array<i32>} : memref<8x208xf32, #tpu.memory_space<vmem>>, vector<16xf32>,
      %add3A_275 = arith.addf %add3A_270, %get3A_274 : vector<16xf32>
      %get3A_276 = arith.constant 0 : i32
      %get3A_277 = arith.index_cast %get3A_276 : i32 to index
      %get3A_278 = arith.constant 176 : index
      %get3A_279 = tpu.vector_load %arg7[%get3A_277, %get3A_278] {strides = array<i32>} : memref<8x208xf32, #tpu.memory_space<vmem>>, vector<16xf32>,
      %add3A_280 = arith.addf %add3A_275, %get3A_279 : vector<16xf32>
      %get3A_281 = arith.constant 0 : i32
      %get3A_282 = arith.index_cast %get3A_281 : i32 to index
      %get3A_283 = arith.constant 192 : index
      %get3A_284 = tpu.vector_load %arg7[%get3A_282, %get3A_283] {strides = array<i32>} : memref<8x208xf32, #tpu.memory_space<vmem>>, vector<16xf32>,
      %add3A_285 = arith.addf %add3A_280, %get3A_284 : vector<16xf32>
      %mul3A_286 = arith.constant 16 : i32
      %mul3A_287 = arith.muli %add3A_210, %mul3A_286 : i32
      %swap3A_288 = arith.index_cast %mul3A_287 : i32 to index
      %swap3A_289 = tpu.vector_load %arg8[%swap3A_288] {strides = array<i32>} : memref<8192xf32, #tpu.memory_space<vmem>>, vector<16xf32>,
      tpu.vector_store %arg8[%swap3A_288], %add3A_285 {strides = array<i32>} : memref<8192xf32, #tpu.memory_space<vmem>>, vector<16xf32>,
      %add3A_290 = arith.constant 8 : i32
      %add3A_291 = arith.addi %add3A_210, %add3A_290 : i32
      %lt3A = arith.constant 512 : i32
      %lt3A_292 = arith.cmpi slt, %add3A_291, %lt3A : i32
      %convert_element_type3A = arith.extui %lt3A_292 : i1 to i32
      %cond3A = arith.constant 0 : i32
      %cond3A_293 = arith.cmpi ne, %convert_element_type3A, %cond3A : i32
      scf.if %cond3A_293 {
        %add3A_931 = arith.constant 8 : i32
        %add3A_932 = arith.addi %add3A_210, %add3A_931 : i32
        %dma_start3A_933 = arith.constant 0 : i32
        %dma_start3A_934 = arith.constant 0 : i32
        %dma_start3A_935 = tpu.memref_slice %arg7[%dma_start3A_933, %dma_start3A_934] : memref<8x208xf32, #tpu.memory_space<vmem>> -> memref<1x104xf32, #tpu.memory_space<vmem>>
        %dma_start3A_936 = tpu.memref_squeeze %dma_start3A_935 : memref<1x104xf32, #tpu.memory_space<vmem>> -> memref<104xf32, #tpu.memory_space<vmem>>
        %dma_start3A_937 = arith.constant 0 : i32
        %dma_start3A_938 = tpu.memref_slice %arg6[%add3A_932, %dma_start3A_937] : memref<512x200xi32, #tpu.memory_space<vmem>> -> memref<1x104xi32, #tpu.memory_space<vmem>>
        %dma_start3A_939 = tpu.memref_squeeze %dma_start3A_938 : memref<1x104xi32, #tpu.memory_space<vmem>> -> memref<104xi32, #tpu.memory_space<vmem>>
        %dma_start3A_940 = arith.constant 0 : i32
        %dma_start3A_941 = tpu.memref_slice %arg3[%dma_start3A_940] : memref<1000000xf32, #tpu.memory_space<hbm>> -> memref<1000000xf32, #tpu.memory_space<hbm>>
        tpu.enqueue_indirect_dma source(%dma_start3A_941 : memref<1000000xf32, #tpu.memory_space<hbm>>) target(%dma_start3A_936 : memref<104xf32, #tpu.memory_space<vmem>>) offsets(%dma_start3A_939 : memref<104xi32, #tpu.memory_space<vmem>>) semaphore(%arg11 : memref<!tpu.dma_semaphore, #tpu.memory_space<semaphore_mem>>)
        %dma_start3A_942 = arith.constant 0 : i32
        %dma_start3A_943 = arith.constant 104 : i32
        %dma_start3A_944 = tpu.memref_slice %arg7[%dma_start3A_942, %dma_start3A_943] : memref<8x208xf32, #tpu.memory_space<vmem>> -> memref<1x96xf32, #tpu.memory_space<vmem>>
        %dma_start3A_945 = tpu.memref_squeeze %dma_start3A_944 : memref<1x96xf32, #tpu.memory_space<vmem>> -> memref<96xf32, #tpu.memory_space<vmem>>
        %dma_start3A_946 = arith.constant 104 : i32
        %dma_start3A_947 = tpu.memref_slice %arg6[%add3A_932, %dma_start3A_946] : memref<512x200xi32, #tpu.memory_space<vmem>> -> memref<1x96xi32, #tpu.memory_space<vmem>>
        %dma_start3A_948 = tpu.memref_squeeze %dma_start3A_947 : memref<1x96xi32, #tpu.memory_space<vmem>> -> memref<96xi32, #tpu.memory_space<vmem>>
        %dma_start3A_949 = arith.constant 0 : i32
        %dma_start3A_950 = tpu.memref_slice %arg3[%dma_start3A_949] : memref<1000000xf32, #tpu.memory_space<hbm>> -> memref<1000000xf32, #tpu.memory_space<hbm>>
        tpu.enqueue_indirect_dma source(%dma_start3A_950 : memref<1000000xf32, #tpu.memory_space<hbm>>) target(%dma_start3A_945 : memref<96xf32, #tpu.memory_space<vmem>>) offsets(%dma_start3A_948 : memref<96xi32, #tpu.memory_space<vmem>>) semaphore(%arg11 : memref<!tpu.dma_semaphore, #tpu.memory_space<semaphore_mem>>)
      } else {
      }
      %mul3A_294 = arith.constant 8 : i32
      %mul3A_295 = arith.muli %scan3A_206, %mul3A_294 : i32
      %add3A_296 = arith.constant 1 : i32
      %add3A_297 = arith.addi %mul3A_295, %add3A_296 : i32
      %dma_wait3A_298 = arith.constant 1 : i32
      %dma_wait3A_299 = arith.constant 0 : i32
      %dma_wait3A_300 = tpu.memref_slice %arg7[%dma_wait3A_298, %dma_wait3A_299] : memref<8x208xf32, #tpu.memory_space<vmem>> -> memref<1x200xf32, #tpu.memory_space<vmem>>
      %dma_wait3A_301 = tpu.memref_squeeze %dma_wait3A_300 : memref<1x200xf32, #tpu.memory_space<vmem>> -> memref<200xf32, #tpu.memory_space<vmem>>
      %dma_wait3A_302 = arith.constant 0 : i32
      %dma_wait3A_303 = tpu.memref_slice %arg3[%dma_wait3A_302] : memref<1000000xf32, #tpu.memory_space<hbm>> -> memref<200xf32, #tpu.memory_space<hbm>>
      %dma_wait3A_304 = arith.constant 0 : i32
      %dma_wait3A_305 = tpu.memref_slice %arg7[%dma_wait3A_298, %dma_wait3A_304] : memref<8x208xf32, #tpu.memory_space<vmem>> -> memref<1x200xf32, #tpu.memory_space<vmem>>
      %dma_wait3A_306 = tpu.memref_squeeze %dma_wait3A_305 : memref<1x200xf32, #tpu.memory_space<vmem>> -> memref<200xf32, #tpu.memory_space<vmem>>
      %dma_wait3A_307 = arith.constant 0 : i32
      %dma_wait3A_308 = tpu.memref_slice %arg3[%dma_wait3A_307] : memref<1000000xf32, #tpu.memory_space<hbm>> -> memref<200xf32, #tpu.memory_space<hbm>>
      tpu.wait_dma2 semaphore(%arg12 : memref<!tpu.dma_semaphore, #tpu.memory_space<semaphore_mem>>) src(%dma_wait3A_308 : memref<200xf32, #tpu.memory_space<hbm>>) dst(%dma_wait3A_306 : memref<200xf32, #tpu.memory_space<vmem>>)
      %get3A_309 = arith.constant 1 : i32
      %get3A_310 = arith.index_cast %get3A_309 : i32 to index
      %get3A_311 = arith.constant 0 : index
      %get3A_312 = tpu.vector_load %arg7[%get3A_310, %get3A_311] {strides = array<i32>} : memref<8x208xf32, #tpu.memory_space<vmem>>, vector<16xf32>,
      %add3A_313 = arith.addf %broadcast_in_dim3A_4, %get3A_312 : vector<16xf32>
      %get3A_314 = arith.constant 1 : i32
      %get3A_315 = arith.index_cast %get3A_314 : i32 to index
      %get3A_316 = arith.constant 16 : index
      %get3A_317 = tpu.vector_load %arg7[%get3A_315, %get3A_316] {strides = array<i32>} : memref<8x208xf32, #tpu.memory_space<vmem>>, vector<16xf32>,
      %add3A_318 = arith.addf %add3A_313, %get3A_317 : vector<16xf32>
      %get3A_319 = arith.constant 1 : i32
      %get3A_320 = arith.index_cast %get3A_319 : i32 to index
      %get3A_321 = arith.constant 32 : index
      %get3A_322 = tpu.vector_load %arg7[%get3A_320, %get3A_321] {strides = array<i32>} : memref<8x208xf32, #tpu.memory_space<vmem>>, vector<16xf32>,
      %add3A_323 = arith.addf %add3A_318, %get3A_322 : vector<16xf32>
      %get3A_324 = arith.constant 1 : i32
      %get3A_325 = arith.index_cast %get3A_324 : i32 to index
      %get3A_326 = arith.constant 48 : index
      %get3A_327 = tpu.vector_load %arg7[%get3A_325, %get3A_326] {strides = array<i32>} : memref<8x208xf32, #tpu.memory_space<vmem>>, vector<16xf32>,
      %add3A_328 = arith.addf %add3A_323, %get3A_327 : vector<16xf32>
      %get3A_329 = arith.constant 1 : i32
      %get3A_330 = arith.index_cast %get3A_329 : i32 to index
      %get3A_331 = arith.constant 64 : index
      %get3A_332 = tpu.vector_load %arg7[%get3A_330, %get3A_331] {strides = array<i32>} : memref<8x208xf32, #tpu.memory_space<vmem>>, vector<16xf32>,
      %add3A_333 = arith.addf %add3A_328, %get3A_332 : vector<16xf32>
      %get3A_334 = arith.constant 1 : i32
      %get3A_335 = arith.index_cast %get3A_334 : i32 to index
      %get3A_336 = arith.constant 80 : index
      %get3A_337 = tpu.vector_load %arg7[%get3A_335, %get3A_336] {strides = array<i32>} : memref<8x208xf32, #tpu.memory_space<vmem>>, vector<16xf32>,
      %add3A_338 = arith.addf %add3A_333, %get3A_337 : vector<16xf32>
      %get3A_339 = arith.constant 1 : i32
      %get3A_340 = arith.index_cast %get3A_339 : i32 to index
      %get3A_341 = arith.constant 96 : index
      %get3A_342 = tpu.vector_load %arg7[%get3A_340, %get3A_341] {strides = array<i32>} : memref<8x208xf32, #tpu.memory_space<vmem>>, vector<16xf32>,
      %add3A_343 = arith.addf %add3A_338, %get3A_342 : vector<16xf32>
      %get3A_344 = arith.constant 1 : i32
      %get3A_345 = arith.index_cast %get3A_344 : i32 to index
      %get3A_346 = arith.constant 112 : index
      %get3A_347 = tpu.vector_load %arg7[%get3A_345, %get3A_346] {strides = array<i32>} : memref<8x208xf32, #tpu.memory_space<vmem>>, vector<16xf32>,
      %add3A_348 = arith.addf %add3A_343, %get3A_347 : vector<16xf32>
      %get3A_349 = arith.constant 1 : i32
      %get3A_350 = arith.index_cast %get3A_349 : i32 to index
      %get3A_351 = arith.constant 128 : index
      %get3A_352 = tpu.vector_load %arg7[%get3A_350, %get3A_351] {strides = array<i32>} : memref<8x208xf32, #tpu.memory_space<vmem>>, vector<16xf32>,
      %add3A_353 = arith.addf %add3A_348, %get3A_352 : vector<16xf32>
      %get3A_354 = arith.constant 1 : i32
      %get3A_355 = arith.index_cast %get3A_354 : i32 to index
      %get3A_356 = arith.constant 144 : index
      %get3A_357 = tpu.vector_load %arg7[%get3A_355, %get3A_356] {strides = array<i32>} : memref<8x208xf32, #tpu.memory_space<vmem>>, vector<16xf32>,
      %add3A_358 = arith.addf %add3A_353, %get3A_357 : vector<16xf32>
      %get3A_359 = arith.constant 1 : i32
      %get3A_360 = arith.index_cast %get3A_359 : i32 to index
      %get3A_361 = arith.constant 160 : index
      %get3A_362 = tpu.vector_load %arg7[%get3A_360, %get3A_361] {strides = array<i32>} : memref<8x208xf32, #tpu.memory_space<vmem>>, vector<16xf32>,
      %add3A_363 = arith.addf %add3A_358, %get3A_362 : vector<16xf32>
      %get3A_364 = arith.constant 1 : i32
      %get3A_365 = arith.index_cast %get3A_364 : i32 to index
      %get3A_366 = arith.constant 176 : index
      %get3A_367 = tpu.vector_load %arg7[%get3A_365, %get3A_366] {strides = array<i32>} : memref<8x208xf32, #tpu.memory_space<vmem>>, vector<16xf32>,
      %add3A_368 = arith.addf %add3A_363, %get3A_367 : vector<16xf32>
      %get3A_369 = arith.constant 1 : i32
      %get3A_370 = arith.index_cast %get3A_369 : i32 to index
      %get3A_371 = arith.constant 192 : index
      %get3A_372 = tpu.vector_load %arg7[%get3A_370, %get3A_371] {strides = array<i32>} : memref<8x208xf32, #tpu.memory_space<vmem>>, vector<16xf32>,
      %add3A_373 = arith.addf %add3A_368, %get3A_372 : vector<16xf32>
      %mul3A_374 = arith.constant 16 : i32
      %mul3A_375 = arith.muli %add3A_297, %mul3A_374 : i32
      %swap3A_376 = arith.index_cast %mul3A_375 : i32 to index
      %swap3A_377 = tpu.vector_load %arg8[%swap3A_376] {strides = array<i32>} : memref<8192xf32, #tpu.memory_space<vmem>>, vector<16xf32>,
      tpu.vector_store %arg8[%swap3A_376], %add3A_373 {strides = array<i32>} : memref<8192xf32, #tpu.memory_space<vmem>>, vector<16xf32>,
      %add3A_378 = arith.constant 8 : i32
      %add3A_379 = arith.addi %add3A_297, %add3A_378 : i32
      %lt3A_380 = arith.constant 512 : i32
      %lt3A_381 = arith.cmpi slt, %add3A_379, %lt3A_380 : i32
      %convert_element_type3A_382 = arith.extui %lt3A_381 : i1 to i32
      %cond3A_383 = arith.constant 0 : i32
      %cond3A_384 = arith.cmpi ne, %convert_element_type3A_382, %cond3A_383 : i32
      scf.if %cond3A_384 {
        %add3A_931 = arith.constant 8 : i32
        %add3A_932 = arith.addi %add3A_297, %add3A_931 : i32
        %dma_start3A_933 = arith.constant 1 : i32
        %dma_start3A_934 = arith.constant 0 : i32
        %dma_start3A_935 = tpu.memref_slice %arg7[%dma_start3A_933, %dma_start3A_934] : memref<8x208xf32, #tpu.memory_space<vmem>> -> memref<1x104xf32, #tpu.memory_space<vmem>>
        %dma_start3A_936 = tpu.memref_squeeze %dma_start3A_935 : memref<1x104xf32, #tpu.memory_space<vmem>> -> memref<104xf32, #tpu.memory_space<vmem>>
        %dma_start3A_937 = arith.constant 0 : i32
        %dma_start3A_938 = tpu.memref_slice %arg6[%add3A_932, %dma_start3A_937] : memref<512x200xi32, #tpu.memory_space<vmem>> -> memref<1x104xi32, #tpu.memory_space<vmem>>
        %dma_start3A_939 = tpu.memref_squeeze %dma_start3A_938 : memref<1x104xi32, #tpu.memory_space<vmem>> -> memref<104xi32, #tpu.memory_space<vmem>>
        %dma_start3A_940 = arith.constant 0 : i32
        %dma_start3A_941 = tpu.memref_slice %arg3[%dma_start3A_940] : memref<1000000xf32, #tpu.memory_space<hbm>> -> memref<1000000xf32, #tpu.memory_space<hbm>>
        tpu.enqueue_indirect_dma source(%dma_start3A_941 : memref<1000000xf32, #tpu.memory_space<hbm>>) target(%dma_start3A_936 : memref<104xf32, #tpu.memory_space<vmem>>) offsets(%dma_start3A_939 : memref<104xi32, #tpu.memory_space<vmem>>) semaphore(%arg12 : memref<!tpu.dma_semaphore, #tpu.memory_space<semaphore_mem>>)
        %dma_start3A_942 = arith.constant 1 : i32
        %dma_start3A_943 = arith.constant 104 : i32
        %dma_start3A_944 = tpu.memref_slice %arg7[%dma_start3A_942, %dma_start3A_943] : memref<8x208xf32, #tpu.memory_space<vmem>> -> memref<1x96xf32, #tpu.memory_space<vmem>>
        %dma_start3A_945 = tpu.memref_squeeze %dma_start3A_944 : memref<1x96xf32, #tpu.memory_space<vmem>> -> memref<96xf32, #tpu.memory_space<vmem>>
        %dma_start3A_946 = arith.constant 104 : i32
        %dma_start3A_947 = tpu.memref_slice %arg6[%add3A_932, %dma_start3A_946] : memref<512x200xi32, #tpu.memory_space<vmem>> -> memref<1x96xi32, #tpu.memory_space<vmem>>
        %dma_start3A_948 = tpu.memref_squeeze %dma_start3A_947 : memref<1x96xi32, #tpu.memory_space<vmem>> -> memref<96xi32, #tpu.memory_space<vmem>>
        %dma_start3A_949 = arith.constant 0 : i32
        %dma_start3A_950 = tpu.memref_slice %arg3[%dma_start3A_949] : memref<1000000xf32, #tpu.memory_space<hbm>> -> memref<1000000xf32, #tpu.memory_space<hbm>>
        tpu.enqueue_indirect_dma source(%dma_start3A_950 : memref<1000000xf32, #tpu.memory_space<hbm>>) target(%dma_start3A_945 : memref<96xf32, #tpu.memory_space<vmem>>) offsets(%dma_start3A_948 : memref<96xi32, #tpu.memory_space<vmem>>) semaphore(%arg12 : memref<!tpu.dma_semaphore, #tpu.memory_space<semaphore_mem>>)
      } else {
      }
      %mul3A_385 = arith.constant 8 : i32
      %mul3A_386 = arith.muli %scan3A_206, %mul3A_385 : i32
      %add3A_387 = arith.constant 2 : i32
      %add3A_388 = arith.addi %mul3A_386, %add3A_387 : i32
      %dma_wait3A_389 = arith.constant 2 : i32
      %dma_wait3A_390 = arith.constant 0 : i32
      %dma_wait3A_391 = tpu.memref_slice %arg7[%dma_wait3A_389, %dma_wait3A_390] : memref<8x208xf32, #tpu.memory_space<vmem>> -> memref<1x200xf32, #tpu.memory_space<vmem>>
      %dma_wait3A_392 = tpu.memref_squeeze %dma_wait3A_391 : memref<1x200xf32, #tpu.memory_space<vmem>> -> memref<200xf32, #tpu.memory_space<vmem>>
      %dma_wait3A_393 = arith.constant 0 : i32
      %dma_wait3A_394 = tpu.memref_slice %arg3[%dma_wait3A_393] : memref<1000000xf32, #tpu.memory_space<hbm>> -> memref<200xf32, #tpu.memory_space<hbm>>
      %dma_wait3A_395 = arith.constant 0 : i32
      %dma_wait3A_396 = tpu.memref_slice %arg7[%dma_wait3A_389, %dma_wait3A_395] : memref<8x208xf32, #tpu.memory_space<vmem>> -> memref<1x200xf32, #tpu.memory_space<vmem>>
      %dma_wait3A_397 = tpu.memref_squeeze %dma_wait3A_396 : memref<1x200xf32, #tpu.memory_space<vmem>> -> memref<200xf32, #tpu.memory_space<vmem>>
      %dma_wait3A_398 = arith.constant 0 : i32
      %dma_wait3A_399 = tpu.memref_slice %arg3[%dma_wait3A_398] : memref<1000000xf32, #tpu.memory_space<hbm>> -> memref<200xf32, #tpu.memory_space<hbm>>
      tpu.wait_dma2 semaphore(%arg13 : memref<!tpu.dma_semaphore, #tpu.memory_space<semaphore_mem>>) src(%dma_wait3A_399 : memref<200xf32, #tpu.memory_space<hbm>>) dst(%dma_wait3A_397 : memref<200xf32, #tpu.memory_space<vmem>>)
      %get3A_400 = arith.constant 2 : i32
      %get3A_401 = arith.index_cast %get3A_400 : i32 to index
      %get3A_402 = arith.constant 0 : index
      %get3A_403 = tpu.vector_load %arg7[%get3A_401, %get3A_402] {strides = array<i32>} : memref<8x208xf32, #tpu.memory_space<vmem>>, vector<16xf32>,
      %add3A_404 = arith.addf %broadcast_in_dim3A_4, %get3A_403 : vector<16xf32>
      %get3A_405 = arith.constant 2 : i32
      %get3A_406 = arith.index_cast %get3A_405 : i32 to index
      %get3A_407 = arith.constant 16 : index
      %get3A_408 = tpu.vector_load %arg7[%get3A_406, %get3A_407] {strides = array<i32>} : memref<8x208xf32, #tpu.memory_space<vmem>>, vector<16xf32>,
      %add3A_409 = arith.addf %add3A_404, %get3A_408 : vector<16xf32>
      %get3A_410 = arith.constant 2 : i32
      %get3A_411 = arith.index_cast %get3A_410 : i32 to index
      %get3A_412 = arith.constant 32 : index
      %get3A_413 = tpu.vector_load %arg7[%get3A_411, %get3A_412] {strides = array<i32>} : memref<8x208xf32, #tpu.memory_space<vmem>>, vector<16xf32>,
      %add3A_414 = arith.addf %add3A_409, %get3A_413 : vector<16xf32>
      %get3A_415 = arith.constant 2 : i32
      %get3A_416 = arith.index_cast %get3A_415 : i32 to index
      %get3A_417 = arith.constant 48 : index
      %get3A_418 = tpu.vector_load %arg7[%get3A_416, %get3A_417] {strides = array<i32>} : memref<8x208xf32, #tpu.memory_space<vmem>>, vector<16xf32>,
      %add3A_419 = arith.addf %add3A_414, %get3A_418 : vector<16xf32>
      %get3A_420 = arith.constant 2 : i32
      %get3A_421 = arith.index_cast %get3A_420 : i32 to index
      %get3A_422 = arith.constant 64 : index
      %get3A_423 = tpu.vector_load %arg7[%get3A_421, %get3A_422] {strides = array<i32>} : memref<8x208xf32, #tpu.memory_space<vmem>>, vector<16xf32>,
      %add3A_424 = arith.addf %add3A_419, %get3A_423 : vector<16xf32>
      %get3A_425 = arith.constant 2 : i32
      %get3A_426 = arith.index_cast %get3A_425 : i32 to index
      %get3A_427 = arith.constant 80 : index
      %get3A_428 = tpu.vector_load %arg7[%get3A_426, %get3A_427] {strides = array<i32>} : memref<8x208xf32, #tpu.memory_space<vmem>>, vector<16xf32>,
      %add3A_429 = arith.addf %add3A_424, %get3A_428 : vector<16xf32>
      %get3A_430 = arith.constant 2 : i32
      %get3A_431 = arith.index_cast %get3A_430 : i32 to index
      %get3A_432 = arith.constant 96 : index
      %get3A_433 = tpu.vector_load %arg7[%get3A_431, %get3A_432] {strides = array<i32>} : memref<8x208xf32, #tpu.memory_space<vmem>>, vector<16xf32>,
      %add3A_434 = arith.addf %add3A_429, %get3A_433 : vector<16xf32>
      %get3A_435 = arith.constant 2 : i32
      %get3A_436 = arith.index_cast %get3A_435 : i32 to index
      %get3A_437 = arith.constant 112 : index
      %get3A_438 = tpu.vector_load %arg7[%get3A_436, %get3A_437] {strides = array<i32>} : memref<8x208xf32, #tpu.memory_space<vmem>>, vector<16xf32>,
      %add3A_439 = arith.addf %add3A_434, %get3A_438 : vector<16xf32>
      %get3A_440 = arith.constant 2 : i32
      %get3A_441 = arith.index_cast %get3A_440 : i32 to index
      %get3A_442 = arith.constant 128 : index
      %get3A_443 = tpu.vector_load %arg7[%get3A_441, %get3A_442] {strides = array<i32>} : memref<8x208xf32, #tpu.memory_space<vmem>>, vector<16xf32>,
      %add3A_444 = arith.addf %add3A_439, %get3A_443 : vector<16xf32>
      %get3A_445 = arith.constant 2 : i32
      %get3A_446 = arith.index_cast %get3A_445 : i32 to index
      %get3A_447 = arith.constant 144 : index
      %get3A_448 = tpu.vector_load %arg7[%get3A_446, %get3A_447] {strides = array<i32>} : memref<8x208xf32, #tpu.memory_space<vmem>>, vector<16xf32>,
      %add3A_449 = arith.addf %add3A_444, %get3A_448 : vector<16xf32>
      %get3A_450 = arith.constant 2 : i32
      %get3A_451 = arith.index_cast %get3A_450 : i32 to index
      %get3A_452 = arith.constant 160 : index
      %get3A_453 = tpu.vector_load %arg7[%get3A_451, %get3A_452] {strides = array<i32>} : memref<8x208xf32, #tpu.memory_space<vmem>>, vector<16xf32>,
      %add3A_454 = arith.addf %add3A_449, %get3A_453 : vector<16xf32>
      %get3A_455 = arith.constant 2 : i32
      %get3A_456 = arith.index_cast %get3A_455 : i32 to index
      %get3A_457 = arith.constant 176 : index
      %get3A_458 = tpu.vector_load %arg7[%get3A_456, %get3A_457] {strides = array<i32>} : memref<8x208xf32, #tpu.memory_space<vmem>>, vector<16xf32>,
      %add3A_459 = arith.addf %add3A_454, %get3A_458 : vector<16xf32>
      %get3A_460 = arith.constant 2 : i32
      %get3A_461 = arith.index_cast %get3A_460 : i32 to index
      %get3A_462 = arith.constant 192 : index
      %get3A_463 = tpu.vector_load %arg7[%get3A_461, %get3A_462] {strides = array<i32>} : memref<8x208xf32, #tpu.memory_space<vmem>>, vector<16xf32>,
      %add3A_464 = arith.addf %add3A_459, %get3A_463 : vector<16xf32>
      %mul3A_465 = arith.constant 16 : i32
      %mul3A_466 = arith.muli %add3A_388, %mul3A_465 : i32
      %swap3A_467 = arith.index_cast %mul3A_466 : i32 to index
      %swap3A_468 = tpu.vector_load %arg8[%swap3A_467] {strides = array<i32>} : memref<8192xf32, #tpu.memory_space<vmem>>, vector<16xf32>,
      tpu.vector_store %arg8[%swap3A_467], %add3A_464 {strides = array<i32>} : memref<8192xf32, #tpu.memory_space<vmem>>, vector<16xf32>,
      %add3A_469 = arith.constant 8 : i32
      %add3A_470 = arith.addi %add3A_388, %add3A_469 : i32
      %lt3A_471 = arith.constant 512 : i32
      %lt3A_472 = arith.cmpi slt, %add3A_470, %lt3A_471 : i32
      %convert_element_type3A_473 = arith.extui %lt3A_472 : i1 to i32
      %cond3A_474 = arith.constant 0 : i32
      %cond3A_475 = arith.cmpi ne, %convert_element_type3A_473, %cond3A_474 : i32
      scf.if %cond3A_475 {
        %add3A_931 = arith.constant 8 : i32
        %add3A_932 = arith.addi %add3A_388, %add3A_931 : i32
        %dma_start3A_933 = arith.constant 2 : i32
        %dma_start3A_934 = arith.constant 0 : i32
        %dma_start3A_935 = tpu.memref_slice %arg7[%dma_start3A_933, %dma_start3A_934] : memref<8x208xf32, #tpu.memory_space<vmem>> -> memref<1x104xf32, #tpu.memory_space<vmem>>
        %dma_start3A_936 = tpu.memref_squeeze %dma_start3A_935 : memref<1x104xf32, #tpu.memory_space<vmem>> -> memref<104xf32, #tpu.memory_space<vmem>>
        %dma_start3A_937 = arith.constant 0 : i32
        %dma_start3A_938 = tpu.memref_slice %arg6[%add3A_932, %dma_start3A_937] : memref<512x200xi32, #tpu.memory_space<vmem>> -> memref<1x104xi32, #tpu.memory_space<vmem>>
        %dma_start3A_939 = tpu.memref_squeeze %dma_start3A_938 : memref<1x104xi32, #tpu.memory_space<vmem>> -> memref<104xi32, #tpu.memory_space<vmem>>
        %dma_start3A_940 = arith.constant 0 : i32
        %dma_start3A_941 = tpu.memref_slice %arg3[%dma_start3A_940] : memref<1000000xf32, #tpu.memory_space<hbm>> -> memref<1000000xf32, #tpu.memory_space<hbm>>
        tpu.enqueue_indirect_dma source(%dma_start3A_941 : memref<1000000xf32, #tpu.memory_space<hbm>>) target(%dma_start3A_936 : memref<104xf32, #tpu.memory_space<vmem>>) offsets(%dma_start3A_939 : memref<104xi32, #tpu.memory_space<vmem>>) semaphore(%arg13 : memref<!tpu.dma_semaphore, #tpu.memory_space<semaphore_mem>>)
        %dma_start3A_942 = arith.constant 2 : i32
        %dma_start3A_943 = arith.constant 104 : i32
        %dma_start3A_944 = tpu.memref_slice %arg7[%dma_start3A_942, %dma_start3A_943] : memref<8x208xf32, #tpu.memory_space<vmem>> -> memref<1x96xf32, #tpu.memory_space<vmem>>
        %dma_start3A_945 = tpu.memref_squeeze %dma_start3A_944 : memref<1x96xf32, #tpu.memory_space<vmem>> -> memref<96xf32, #tpu.memory_space<vmem>>
        %dma_start3A_946 = arith.constant 104 : i32
        %dma_start3A_947 = tpu.memref_slice %arg6[%add3A_932, %dma_start3A_946] : memref<512x200xi32, #tpu.memory_space<vmem>> -> memref<1x96xi32, #tpu.memory_space<vmem>>
        %dma_start3A_948 = tpu.memref_squeeze %dma_start3A_947 : memref<1x96xi32, #tpu.memory_space<vmem>> -> memref<96xi32, #tpu.memory_space<vmem>>
        %dma_start3A_949 = arith.constant 0 : i32
        %dma_start3A_950 = tpu.memref_slice %arg3[%dma_start3A_949] : memref<1000000xf32, #tpu.memory_space<hbm>> -> memref<1000000xf32, #tpu.memory_space<hbm>>
        tpu.enqueue_indirect_dma source(%dma_start3A_950 : memref<1000000xf32, #tpu.memory_space<hbm>>) target(%dma_start3A_945 : memref<96xf32, #tpu.memory_space<vmem>>) offsets(%dma_start3A_948 : memref<96xi32, #tpu.memory_space<vmem>>) semaphore(%arg13 : memref<!tpu.dma_semaphore, #tpu.memory_space<semaphore_mem>>)
      } else {
      }
      %mul3A_476 = arith.constant 8 : i32
      %mul3A_477 = arith.muli %scan3A_206, %mul3A_476 : i32
      %add3A_478 = arith.constant 3 : i32
      %add3A_479 = arith.addi %mul3A_477, %add3A_478 : i32
      %dma_wait3A_480 = arith.constant 3 : i32
      %dma_wait3A_481 = arith.constant 0 : i32
      %dma_wait3A_482 = tpu.memref_slice %arg7[%dma_wait3A_480, %dma_wait3A_481] : memref<8x208xf32, #tpu.memory_space<vmem>> -> memref<1x200xf32, #tpu.memory_space<vmem>>
      %dma_wait3A_483 = tpu.memref_squeeze %dma_wait3A_482 : memref<1x200xf32, #tpu.memory_space<vmem>> -> memref<200xf32, #tpu.memory_space<vmem>>
      %dma_wait3A_484 = arith.constant 0 : i32
      %dma_wait3A_485 = tpu.memref_slice %arg3[%dma_wait3A_484] : memref<1000000xf32, #tpu.memory_space<hbm>> -> memref<200xf32, #tpu.memory_space<hbm>>
      %dma_wait3A_486 = arith.constant 0 : i32
      %dma_wait3A_487 = tpu.memref_slice %arg7[%dma_wait3A_480, %dma_wait3A_486] : memref<8x208xf32, #tpu.memory_space<vmem>> -> memref<1x200xf32, #tpu.memory_space<vmem>>
      %dma_wait3A_488 = tpu.memref_squeeze %dma_wait3A_487 : memref<1x200xf32, #tpu.memory_space<vmem>> -> memref<200xf32, #tpu.memory_space<vmem>>
      %dma_wait3A_489 = arith.constant 0 : i32
      %dma_wait3A_490 = tpu.memref_slice %arg3[%dma_wait3A_489] : memref<1000000xf32, #tpu.memory_space<hbm>> -> memref<200xf32, #tpu.memory_space<hbm>>
      tpu.wait_dma2 semaphore(%arg14 : memref<!tpu.dma_semaphore, #tpu.memory_space<semaphore_mem>>) src(%dma_wait3A_490 : memref<200xf32, #tpu.memory_space<hbm>>) dst(%dma_wait3A_488 : memref<200xf32, #tpu.memory_space<vmem>>)
      %get3A_491 = arith.constant 3 : i32
      %get3A_492 = arith.index_cast %get3A_491 : i32 to index
      %get3A_493 = arith.constant 0 : index
      %get3A_494 = tpu.vector_load %arg7[%get3A_492, %get3A_493] {strides = array<i32>} : memref<8x208xf32, #tpu.memory_space<vmem>>, vector<16xf32>,
      %add3A_495 = arith.addf %broadcast_in_dim3A_4, %get3A_494 : vector<16xf32>
      %get3A_496 = arith.constant 3 : i32
      %get3A_497 = arith.index_cast %get3A_496 : i32 to index
      %get3A_498 = arith.constant 16 : index
      %get3A_499 = tpu.vector_load %arg7[%get3A_497, %get3A_498] {strides = array<i32>} : memref<8x208xf32, #tpu.memory_space<vmem>>, vector<16xf32>,
      %add3A_500 = arith.addf %add3A_495, %get3A_499 : vector<16xf32>
      %get3A_501 = arith.constant 3 : i32
      %get3A_502 = arith.index_cast %get3A_501 : i32 to index
      %get3A_503 = arith.constant 32 : index
      %get3A_504 = tpu.vector_load %arg7[%get3A_502, %get3A_503] {strides = array<i32>} : memref<8x208xf32, #tpu.memory_space<vmem>>, vector<16xf32>,
      %add3A_505 = arith.addf %add3A_500, %get3A_504 : vector<16xf32>
      %get3A_506 = arith.constant 3 : i32
      %get3A_507 = arith.index_cast %get3A_506 : i32 to index
      %get3A_508 = arith.constant 48 : index
      %get3A_509 = tpu.vector_load %arg7[%get3A_507, %get3A_508] {strides = array<i32>} : memref<8x208xf32, #tpu.memory_space<vmem>>, vector<16xf32>,
      %add3A_510 = arith.addf %add3A_505, %get3A_509 : vector<16xf32>
      %get3A_511 = arith.constant 3 : i32
      %get3A_512 = arith.index_cast %get3A_511 : i32 to index
      %get3A_513 = arith.constant 64 : index
      %get3A_514 = tpu.vector_load %arg7[%get3A_512, %get3A_513] {strides = array<i32>} : memref<8x208xf32, #tpu.memory_space<vmem>>, vector<16xf32>,
      %add3A_515 = arith.addf %add3A_510, %get3A_514 : vector<16xf32>
      %get3A_516 = arith.constant 3 : i32
      %get3A_517 = arith.index_cast %get3A_516 : i32 to index
      %get3A_518 = arith.constant 80 : index
      %get3A_519 = tpu.vector_load %arg7[%get3A_517, %get3A_518] {strides = array<i32>} : memref<8x208xf32, #tpu.memory_space<vmem>>, vector<16xf32>,
      %add3A_520 = arith.addf %add3A_515, %get3A_519 : vector<16xf32>
      %get3A_521 = arith.constant 3 : i32
      %get3A_522 = arith.index_cast %get3A_521 : i32 to index
      %get3A_523 = arith.constant 96 : index
      %get3A_524 = tpu.vector_load %arg7[%get3A_522, %get3A_523] {strides = array<i32>} : memref<8x208xf32, #tpu.memory_space<vmem>>, vector<16xf32>,
      %add3A_525 = arith.addf %add3A_520, %get3A_524 : vector<16xf32>
      %get3A_526 = arith.constant 3 : i32
      %get3A_527 = arith.index_cast %get3A_526 : i32 to index
      %get3A_528 = arith.constant 112 : index
      %get3A_529 = tpu.vector_load %arg7[%get3A_527, %get3A_528] {strides = array<i32>} : memref<8x208xf32, #tpu.memory_space<vmem>>, vector<16xf32>,
      %add3A_530 = arith.addf %add3A_525, %get3A_529 : vector<16xf32>
      %get3A_531 = arith.constant 3 : i32
      %get3A_532 = arith.index_cast %get3A_531 : i32 to index
      %get3A_533 = arith.constant 128 : index
      %get3A_534 = tpu.vector_load %arg7[%get3A_532, %get3A_533] {strides = array<i32>} : memref<8x208xf32, #tpu.memory_space<vmem>>, vector<16xf32>,
      %add3A_535 = arith.addf %add3A_530, %get3A_534 : vector<16xf32>
      %get3A_536 = arith.constant 3 : i32
      %get3A_537 = arith.index_cast %get3A_536 : i32 to index
      %get3A_538 = arith.constant 144 : index
      %get3A_539 = tpu.vector_load %arg7[%get3A_537, %get3A_538] {strides = array<i32>} : memref<8x208xf32, #tpu.memory_space<vmem>>, vector<16xf32>,
      %add3A_540 = arith.addf %add3A_535, %get3A_539 : vector<16xf32>
      %get3A_541 = arith.constant 3 : i32
      %get3A_542 = arith.index_cast %get3A_541 : i32 to index
      %get3A_543 = arith.constant 160 : index
      %get3A_544 = tpu.vector_load %arg7[%get3A_542, %get3A_543] {strides = array<i32>} : memref<8x208xf32, #tpu.memory_space<vmem>>, vector<16xf32>,
      %add3A_545 = arith.addf %add3A_540, %get3A_544 : vector<16xf32>
      %get3A_546 = arith.constant 3 : i32
      %get3A_547 = arith.index_cast %get3A_546 : i32 to index
      %get3A_548 = arith.constant 176 : index
      %get3A_549 = tpu.vector_load %arg7[%get3A_547, %get3A_548] {strides = array<i32>} : memref<8x208xf32, #tpu.memory_space<vmem>>, vector<16xf32>,
      %add3A_550 = arith.addf %add3A_545, %get3A_549 : vector<16xf32>
      %get3A_551 = arith.constant 3 : i32
      %get3A_552 = arith.index_cast %get3A_551 : i32 to index
      %get3A_553 = arith.constant 192 : index
      %get3A_554 = tpu.vector_load %arg7[%get3A_552, %get3A_553] {strides = array<i32>} : memref<8x208xf32, #tpu.memory_space<vmem>>, vector<16xf32>,
      %add3A_555 = arith.addf %add3A_550, %get3A_554 : vector<16xf32>
      %mul3A_556 = arith.constant 16 : i32
      %mul3A_557 = arith.muli %add3A_479, %mul3A_556 : i32
      %swap3A_558 = arith.index_cast %mul3A_557 : i32 to index
      %swap3A_559 = tpu.vector_load %arg8[%swap3A_558] {strides = array<i32>} : memref<8192xf32, #tpu.memory_space<vmem>>, vector<16xf32>,
      tpu.vector_store %arg8[%swap3A_558], %add3A_555 {strides = array<i32>} : memref<8192xf32, #tpu.memory_space<vmem>>, vector<16xf32>,
      %add3A_560 = arith.constant 8 : i32
      %add3A_561 = arith.addi %add3A_479, %add3A_560 : i32
      %lt3A_562 = arith.constant 512 : i32
      %lt3A_563 = arith.cmpi slt, %add3A_561, %lt3A_562 : i32
      %convert_element_type3A_564 = arith.extui %lt3A_563 : i1 to i32
      %cond3A_565 = arith.constant 0 : i32
      %cond3A_566 = arith.cmpi ne, %convert_element_type3A_564, %cond3A_565 : i32
      scf.if %cond3A_566 {
        %add3A_931 = arith.constant 8 : i32
        %add3A_932 = arith.addi %add3A_479, %add3A_931 : i32
        %dma_start3A_933 = arith.constant 3 : i32
        %dma_start3A_934 = arith.constant 0 : i32
        %dma_start3A_935 = tpu.memref_slice %arg7[%dma_start3A_933, %dma_start3A_934] : memref<8x208xf32, #tpu.memory_space<vmem>> -> memref<1x104xf32, #tpu.memory_space<vmem>>
        %dma_start3A_936 = tpu.memref_squeeze %dma_start3A_935 : memref<1x104xf32, #tpu.memory_space<vmem>> -> memref<104xf32, #tpu.memory_space<vmem>>
        %dma_start3A_937 = arith.constant 0 : i32
        %dma_start3A_938 = tpu.memref_slice %arg6[%add3A_932, %dma_start3A_937] : memref<512x200xi32, #tpu.memory_space<vmem>> -> memref<1x104xi32, #tpu.memory_space<vmem>>
        %dma_start3A_939 = tpu.memref_squeeze %dma_start3A_938 : memref<1x104xi32, #tpu.memory_space<vmem>> -> memref<104xi32, #tpu.memory_space<vmem>>
        %dma_start3A_940 = arith.constant 0 : i32
        %dma_start3A_941 = tpu.memref_slice %arg3[%dma_start3A_940] : memref<1000000xf32, #tpu.memory_space<hbm>> -> memref<1000000xf32, #tpu.memory_space<hbm>>
        tpu.enqueue_indirect_dma source(%dma_start3A_941 : memref<1000000xf32, #tpu.memory_space<hbm>>) target(%dma_start3A_936 : memref<104xf32, #tpu.memory_space<vmem>>) offsets(%dma_start3A_939 : memref<104xi32, #tpu.memory_space<vmem>>) semaphore(%arg14 : memref<!tpu.dma_semaphore, #tpu.memory_space<semaphore_mem>>)
        %dma_start3A_942 = arith.constant 3 : i32
        %dma_start3A_943 = arith.constant 104 : i32
        %dma_start3A_944 = tpu.memref_slice %arg7[%dma_start3A_942, %dma_start3A_943] : memref<8x208xf32, #tpu.memory_space<vmem>> -> memref<1x96xf32, #tpu.memory_space<vmem>>
        %dma_start3A_945 = tpu.memref_squeeze %dma_start3A_944 : memref<1x96xf32, #tpu.memory_space<vmem>> -> memref<96xf32, #tpu.memory_space<vmem>>
        %dma_start3A_946 = arith.constant 104 : i32
        %dma_start3A_947 = tpu.memref_slice %arg6[%add3A_932, %dma_start3A_946] : memref<512x200xi32, #tpu.memory_space<vmem>> -> memref<1x96xi32, #tpu.memory_space<vmem>>
        %dma_start3A_948 = tpu.memref_squeeze %dma_start3A_947 : memref<1x96xi32, #tpu.memory_space<vmem>> -> memref<96xi32, #tpu.memory_space<vmem>>
        %dma_start3A_949 = arith.constant 0 : i32
        %dma_start3A_950 = tpu.memref_slice %arg3[%dma_start3A_949] : memref<1000000xf32, #tpu.memory_space<hbm>> -> memref<1000000xf32, #tpu.memory_space<hbm>>
        tpu.enqueue_indirect_dma source(%dma_start3A_950 : memref<1000000xf32, #tpu.memory_space<hbm>>) target(%dma_start3A_945 : memref<96xf32, #tpu.memory_space<vmem>>) offsets(%dma_start3A_948 : memref<96xi32, #tpu.memory_space<vmem>>) semaphore(%arg14 : memref<!tpu.dma_semaphore, #tpu.memory_space<semaphore_mem>>)
      } else {
      }
      %mul3A_567 = arith.constant 8 : i32
      %mul3A_568 = arith.muli %scan3A_206, %mul3A_567 : i32
      %add3A_569 = arith.constant 4 : i32
      %add3A_570 = arith.addi %mul3A_568, %add3A_569 : i32
      %dma_wait3A_571 = arith.constant 4 : i32
      %dma_wait3A_572 = arith.constant 0 : i32
      %dma_wait3A_573 = tpu.memref_slice %arg7[%dma_wait3A_571, %dma_wait3A_572] : memref<8x208xf32, #tpu.memory_space<vmem>> -> memref<1x200xf32, #tpu.memory_space<vmem>>
      %dma_wait3A_574 = tpu.memref_squeeze %dma_wait3A_573 : memref<1x200xf32, #tpu.memory_space<vmem>> -> memref<200xf32, #tpu.memory_space<vmem>>
      %dma_wait3A_575 = arith.constant 0 : i32
      %dma_wait3A_576 = tpu.memref_slice %arg3[%dma_wait3A_575] : memref<1000000xf32, #tpu.memory_space<hbm>> -> memref<200xf32, #tpu.memory_space<hbm>>
      %dma_wait3A_577 = arith.constant 0 : i32
      %dma_wait3A_578 = tpu.memref_slice %arg7[%dma_wait3A_571, %dma_wait3A_577] : memref<8x208xf32, #tpu.memory_space<vmem>> -> memref<1x200xf32, #tpu.memory_space<vmem>>
      %dma_wait3A_579 = tpu.memref_squeeze %dma_wait3A_578 : memref<1x200xf32, #tpu.memory_space<vmem>> -> memref<200xf32, #tpu.memory_space<vmem>>
      %dma_wait3A_580 = arith.constant 0 : i32
      %dma_wait3A_581 = tpu.memref_slice %arg3[%dma_wait3A_580] : memref<1000000xf32, #tpu.memory_space<hbm>> -> memref<200xf32, #tpu.memory_space<hbm>>
      tpu.wait_dma2 semaphore(%arg15 : memref<!tpu.dma_semaphore, #tpu.memory_space<semaphore_mem>>) src(%dma_wait3A_581 : memref<200xf32, #tpu.memory_space<hbm>>) dst(%dma_wait3A_579 : memref<200xf32, #tpu.memory_space<vmem>>)
      %get3A_582 = arith.constant 4 : i32
      %get3A_583 = arith.index_cast %get3A_582 : i32 to index
      %get3A_584 = arith.constant 0 : index
      %get3A_585 = tpu.vector_load %arg7[%get3A_583, %get3A_584] {strides = array<i32>} : memref<8x208xf32, #tpu.memory_space<vmem>>, vector<16xf32>,
      %add3A_586 = arith.addf %broadcast_in_dim3A_4, %get3A_585 : vector<16xf32>
      %get3A_587 = arith.constant 4 : i32
      %get3A_588 = arith.index_cast %get3A_587 : i32 to index
      %get3A_589 = arith.constant 16 : index
      %get3A_590 = tpu.vector_load %arg7[%get3A_588, %get3A_589] {strides = array<i32>} : memref<8x208xf32, #tpu.memory_space<vmem>>, vector<16xf32>,
      %add3A_591 = arith.addf %add3A_586, %get3A_590 : vector<16xf32>
      %get3A_592 = arith.constant 4 : i32
      %get3A_593 = arith.index_cast %get3A_592 : i32 to index
      %get3A_594 = arith.constant 32 : index
      %get3A_595 = tpu.vector_load %arg7[%get3A_593, %get3A_594] {strides = array<i32>} : memref<8x208xf32, #tpu.memory_space<vmem>>, vector<16xf32>,
      %add3A_596 = arith.addf %add3A_591, %get3A_595 : vector<16xf32>
      %get3A_597 = arith.constant 4 : i32
      %get3A_598 = arith.index_cast %get3A_597 : i32 to index
      %get3A_599 = arith.constant 48 : index
      %get3A_600 = tpu.vector_load %arg7[%get3A_598, %get3A_599] {strides = array<i32>} : memref<8x208xf32, #tpu.memory_space<vmem>>, vector<16xf32>,
      %add3A_601 = arith.addf %add3A_596, %get3A_600 : vector<16xf32>
      %get3A_602 = arith.constant 4 : i32
      %get3A_603 = arith.index_cast %get3A_602 : i32 to index
      %get3A_604 = arith.constant 64 : index
      %get3A_605 = tpu.vector_load %arg7[%get3A_603, %get3A_604] {strides = array<i32>} : memref<8x208xf32, #tpu.memory_space<vmem>>, vector<16xf32>,
      %add3A_606 = arith.addf %add3A_601, %get3A_605 : vector<16xf32>
      %get3A_607 = arith.constant 4 : i32
      %get3A_608 = arith.index_cast %get3A_607 : i32 to index
      %get3A_609 = arith.constant 80 : index
      %get3A_610 = tpu.vector_load %arg7[%get3A_608, %get3A_609] {strides = array<i32>} : memref<8x208xf32, #tpu.memory_space<vmem>>, vector<16xf32>,
      %add3A_611 = arith.addf %add3A_606, %get3A_610 : vector<16xf32>
      %get3A_612 = arith.constant 4 : i32
      %get3A_613 = arith.index_cast %get3A_612 : i32 to index
      %get3A_614 = arith.constant 96 : index
      %get3A_615 = tpu.vector_load %arg7[%get3A_613, %get3A_614] {strides = array<i32>} : memref<8x208xf32, #tpu.memory_space<vmem>>, vector<16xf32>,
      %add3A_616 = arith.addf %add3A_611, %get3A_615 : vector<16xf32>
      %get3A_617 = arith.constant 4 : i32
      %get3A_618 = arith.index_cast %get3A_617 : i32 to index
      %get3A_619 = arith.constant 112 : index
      %get3A_620 = tpu.vector_load %arg7[%get3A_618, %get3A_619] {strides = array<i32>} : memref<8x208xf32, #tpu.memory_space<vmem>>, vector<16xf32>,
      %add3A_621 = arith.addf %add3A_616, %get3A_620 : vector<16xf32>
      %get3A_622 = arith.constant 4 : i32
      %get3A_623 = arith.index_cast %get3A_622 : i32 to index
      %get3A_624 = arith.constant 128 : index
      %get3A_625 = tpu.vector_load %arg7[%get3A_623, %get3A_624] {strides = array<i32>} : memref<8x208xf32, #tpu.memory_space<vmem>>, vector<16xf32>,
      %add3A_626 = arith.addf %add3A_621, %get3A_625 : vector<16xf32>
      %get3A_627 = arith.constant 4 : i32
      %get3A_628 = arith.index_cast %get3A_627 : i32 to index
      %get3A_629 = arith.constant 144 : index
      %get3A_630 = tpu.vector_load %arg7[%get3A_628, %get3A_629] {strides = array<i32>} : memref<8x208xf32, #tpu.memory_space<vmem>>, vector<16xf32>,
      %add3A_631 = arith.addf %add3A_626, %get3A_630 : vector<16xf32>
      %get3A_632 = arith.constant 4 : i32
      %get3A_633 = arith.index_cast %get3A_632 : i32 to index
      %get3A_634 = arith.constant 160 : index
      %get3A_635 = tpu.vector_load %arg7[%get3A_633, %get3A_634] {strides = array<i32>} : memref<8x208xf32, #tpu.memory_space<vmem>>, vector<16xf32>,
      %add3A_636 = arith.addf %add3A_631, %get3A_635 : vector<16xf32>
      %get3A_637 = arith.constant 4 : i32
      %get3A_638 = arith.index_cast %get3A_637 : i32 to index
      %get3A_639 = arith.constant 176 : index
      %get3A_640 = tpu.vector_load %arg7[%get3A_638, %get3A_639] {strides = array<i32>} : memref<8x208xf32, #tpu.memory_space<vmem>>, vector<16xf32>,
      %add3A_641 = arith.addf %add3A_636, %get3A_640 : vector<16xf32>
      %get3A_642 = arith.constant 4 : i32
      %get3A_643 = arith.index_cast %get3A_642 : i32 to index
      %get3A_644 = arith.constant 192 : index
      %get3A_645 = tpu.vector_load %arg7[%get3A_643, %get3A_644] {strides = array<i32>} : memref<8x208xf32, #tpu.memory_space<vmem>>, vector<16xf32>,
      %add3A_646 = arith.addf %add3A_641, %get3A_645 : vector<16xf32>
      %mul3A_647 = arith.constant 16 : i32
      %mul3A_648 = arith.muli %add3A_570, %mul3A_647 : i32
      %swap3A_649 = arith.index_cast %mul3A_648 : i32 to index
      %swap3A_650 = tpu.vector_load %arg8[%swap3A_649] {strides = array<i32>} : memref<8192xf32, #tpu.memory_space<vmem>>, vector<16xf32>,
      tpu.vector_store %arg8[%swap3A_649], %add3A_646 {strides = array<i32>} : memref<8192xf32, #tpu.memory_space<vmem>>, vector<16xf32>,
      %add3A_651 = arith.constant 8 : i32
      %add3A_652 = arith.addi %add3A_570, %add3A_651 : i32
      %lt3A_653 = arith.constant 512 : i32
      %lt3A_654 = arith.cmpi slt, %add3A_652, %lt3A_653 : i32
      %convert_element_type3A_655 = arith.extui %lt3A_654 : i1 to i32
      %cond3A_656 = arith.constant 0 : i32
      %cond3A_657 = arith.cmpi ne, %convert_element_type3A_655, %cond3A_656 : i32
      scf.if %cond3A_657 {
        %add3A_931 = arith.constant 8 : i32
        %add3A_932 = arith.addi %add3A_570, %add3A_931 : i32
        %dma_start3A_933 = arith.constant 4 : i32
        %dma_start3A_934 = arith.constant 0 : i32
        %dma_start3A_935 = tpu.memref_slice %arg7[%dma_start3A_933, %dma_start3A_934] : memref<8x208xf32, #tpu.memory_space<vmem>> -> memref<1x104xf32, #tpu.memory_space<vmem>>
        %dma_start3A_936 = tpu.memref_squeeze %dma_start3A_935 : memref<1x104xf32, #tpu.memory_space<vmem>> -> memref<104xf32, #tpu.memory_space<vmem>>
        %dma_start3A_937 = arith.constant 0 : i32
        %dma_start3A_938 = tpu.memref_slice %arg6[%add3A_932, %dma_start3A_937] : memref<512x200xi32, #tpu.memory_space<vmem>> -> memref<1x104xi32, #tpu.memory_space<vmem>>
        %dma_start3A_939 = tpu.memref_squeeze %dma_start3A_938 : memref<1x104xi32, #tpu.memory_space<vmem>> -> memref<104xi32, #tpu.memory_space<vmem>>
        %dma_start3A_940 = arith.constant 0 : i32
        %dma_start3A_941 = tpu.memref_slice %arg3[%dma_start3A_940] : memref<1000000xf32, #tpu.memory_space<hbm>> -> memref<1000000xf32, #tpu.memory_space<hbm>>
        tpu.enqueue_indirect_dma source(%dma_start3A_941 : memref<1000000xf32, #tpu.memory_space<hbm>>) target(%dma_start3A_936 : memref<104xf32, #tpu.memory_space<vmem>>) offsets(%dma_start3A_939 : memref<104xi32, #tpu.memory_space<vmem>>) semaphore(%arg15 : memref<!tpu.dma_semaphore, #tpu.memory_space<semaphore_mem>>)
        %dma_start3A_942 = arith.constant 4 : i32
        %dma_start3A_943 = arith.constant 104 : i32
        %dma_start3A_944 = tpu.memref_slice %arg7[%dma_start3A_942, %dma_start3A_943] : memref<8x208xf32, #tpu.memory_space<vmem>> -> memref<1x96xf32, #tpu.memory_space<vmem>>
        %dma_start3A_945 = tpu.memref_squeeze %dma_start3A_944 : memref<1x96xf32, #tpu.memory_space<vmem>> -> memref<96xf32, #tpu.memory_space<vmem>>
        %dma_start3A_946 = arith.constant 104 : i32
        %dma_start3A_947 = tpu.memref_slice %arg6[%add3A_932, %dma_start3A_946] : memref<512x200xi32, #tpu.memory_space<vmem>> -> memref<1x96xi32, #tpu.memory_space<vmem>>
        %dma_start3A_948 = tpu.memref_squeeze %dma_start3A_947 : memref<1x96xi32, #tpu.memory_space<vmem>> -> memref<96xi32, #tpu.memory_space<vmem>>
        %dma_start3A_949 = arith.constant 0 : i32
        %dma_start3A_950 = tpu.memref_slice %arg3[%dma_start3A_949] : memref<1000000xf32, #tpu.memory_space<hbm>> -> memref<1000000xf32, #tpu.memory_space<hbm>>
        tpu.enqueue_indirect_dma source(%dma_start3A_950 : memref<1000000xf32, #tpu.memory_space<hbm>>) target(%dma_start3A_945 : memref<96xf32, #tpu.memory_space<vmem>>) offsets(%dma_start3A_948 : memref<96xi32, #tpu.memory_space<vmem>>) semaphore(%arg15 : memref<!tpu.dma_semaphore, #tpu.memory_space<semaphore_mem>>)
      } else {
      }
      %mul3A_658 = arith.constant 8 : i32
      %mul3A_659 = arith.muli %scan3A_206, %mul3A_658 : i32
      %add3A_660 = arith.constant 5 : i32
      %add3A_661 = arith.addi %mul3A_659, %add3A_660 : i32
      %dma_wait3A_662 = arith.constant 5 : i32
      %dma_wait3A_663 = arith.constant 0 : i32
      %dma_wait3A_664 = tpu.memref_slice %arg7[%dma_wait3A_662, %dma_wait3A_663] : memref<8x208xf32, #tpu.memory_space<vmem>> -> memref<1x200xf32, #tpu.memory_space<vmem>>
      %dma_wait3A_665 = tpu.memref_squeeze %dma_wait3A_664 : memref<1x200xf32, #tpu.memory_space<vmem>> -> memref<200xf32, #tpu.memory_space<vmem>>
      %dma_wait3A_666 = arith.constant 0 : i32
      %dma_wait3A_667 = tpu.memref_slice %arg3[%dma_wait3A_666] : memref<1000000xf32, #tpu.memory_space<hbm>> -> memref<200xf32, #tpu.memory_space<hbm>>
      %dma_wait3A_668 = arith.constant 0 : i32
      %dma_wait3A_669 = tpu.memref_slice %arg7[%dma_wait3A_662, %dma_wait3A_668] : memref<8x208xf32, #tpu.memory_space<vmem>> -> memref<1x200xf32, #tpu.memory_space<vmem>>
      %dma_wait3A_670 = tpu.memref_squeeze %dma_wait3A_669 : memref<1x200xf32, #tpu.memory_space<vmem>> -> memref<200xf32, #tpu.memory_space<vmem>>
      %dma_wait3A_671 = arith.constant 0 : i32
      %dma_wait3A_672 = tpu.memref_slice %arg3[%dma_wait3A_671] : memref<1000000xf32, #tpu.memory_space<hbm>> -> memref<200xf32, #tpu.memory_space<hbm>>
      tpu.wait_dma2 semaphore(%arg16 : memref<!tpu.dma_semaphore, #tpu.memory_space<semaphore_mem>>) src(%dma_wait3A_672 : memref<200xf32, #tpu.memory_space<hbm>>) dst(%dma_wait3A_670 : memref<200xf32, #tpu.memory_space<vmem>>)
      %get3A_673 = arith.constant 5 : i32
      %get3A_674 = arith.index_cast %get3A_673 : i32 to index
      %get3A_675 = arith.constant 0 : index
      %get3A_676 = tpu.vector_load %arg7[%get3A_674, %get3A_675] {strides = array<i32>} : memref<8x208xf32, #tpu.memory_space<vmem>>, vector<16xf32>,
      %add3A_677 = arith.addf %broadcast_in_dim3A_4, %get3A_676 : vector<16xf32>
      %get3A_678 = arith.constant 5 : i32
      %get3A_679 = arith.index_cast %get3A_678 : i32 to index
      %get3A_680 = arith.constant 16 : index
      %get3A_681 = tpu.vector_load %arg7[%get3A_679, %get3A_680] {strides = array<i32>} : memref<8x208xf32, #tpu.memory_space<vmem>>, vector<16xf32>,
      %add3A_682 = arith.addf %add3A_677, %get3A_681 : vector<16xf32>
      %get3A_683 = arith.constant 5 : i32
      %get3A_684 = arith.index_cast %get3A_683 : i32 to index
      %get3A_685 = arith.constant 32 : index
      %get3A_686 = tpu.vector_load %arg7[%get3A_684, %get3A_685] {strides = array<i32>} : memref<8x208xf32, #tpu.memory_space<vmem>>, vector<16xf32>,
      %add3A_687 = arith.addf %add3A_682, %get3A_686 : vector<16xf32>
      %get3A_688 = arith.constant 5 : i32
      %get3A_689 = arith.index_cast %get3A_688 : i32 to index
      %get3A_690 = arith.constant 48 : index
      %get3A_691 = tpu.vector_load %arg7[%get3A_689, %get3A_690] {strides = array<i32>} : memref<8x208xf32, #tpu.memory_space<vmem>>, vector<16xf32>,
      %add3A_692 = arith.addf %add3A_687, %get3A_691 : vector<16xf32>
      %get3A_693 = arith.constant 5 : i32
      %get3A_694 = arith.index_cast %get3A_693 : i32 to index
      %get3A_695 = arith.constant 64 : index
      %get3A_696 = tpu.vector_load %arg7[%get3A_694, %get3A_695] {strides = array<i32>} : memref<8x208xf32, #tpu.memory_space<vmem>>, vector<16xf32>,
      %add3A_697 = arith.addf %add3A_692, %get3A_696 : vector<16xf32>
      %get3A_698 = arith.constant 5 : i32
      %get3A_699 = arith.index_cast %get3A_698 : i32 to index
      %get3A_700 = arith.constant 80 : index
      %get3A_701 = tpu.vector_load %arg7[%get3A_699, %get3A_700] {strides = array<i32>} : memref<8x208xf32, #tpu.memory_space<vmem>>, vector<16xf32>,
      %add3A_702 = arith.addf %add3A_697, %get3A_701 : vector<16xf32>
      %get3A_703 = arith.constant 5 : i32
      %get3A_704 = arith.index_cast %get3A_703 : i32 to index
      %get3A_705 = arith.constant 96 : index
      %get3A_706 = tpu.vector_load %arg7[%get3A_704, %get3A_705] {strides = array<i32>} : memref<8x208xf32, #tpu.memory_space<vmem>>, vector<16xf32>,
      %add3A_707 = arith.addf %add3A_702, %get3A_706 : vector<16xf32>
      %get3A_708 = arith.constant 5 : i32
      %get3A_709 = arith.index_cast %get3A_708 : i32 to index
      %get3A_710 = arith.constant 112 : index
      %get3A_711 = tpu.vector_load %arg7[%get3A_709, %get3A_710] {strides = array<i32>} : memref<8x208xf32, #tpu.memory_space<vmem>>, vector<16xf32>,
      %add3A_712 = arith.addf %add3A_707, %get3A_711 : vector<16xf32>
      %get3A_713 = arith.constant 5 : i32
      %get3A_714 = arith.index_cast %get3A_713 : i32 to index
      %get3A_715 = arith.constant 128 : index
      %get3A_716 = tpu.vector_load %arg7[%get3A_714, %get3A_715] {strides = array<i32>} : memref<8x208xf32, #tpu.memory_space<vmem>>, vector<16xf32>,
      %add3A_717 = arith.addf %add3A_712, %get3A_716 : vector<16xf32>
      %get3A_718 = arith.constant 5 : i32
      %get3A_719 = arith.index_cast %get3A_718 : i32 to index
      %get3A_720 = arith.constant 144 : index
      %get3A_721 = tpu.vector_load %arg7[%get3A_719, %get3A_720] {strides = array<i32>} : memref<8x208xf32, #tpu.memory_space<vmem>>, vector<16xf32>,
      %add3A_722 = arith.addf %add3A_717, %get3A_721 : vector<16xf32>
      %get3A_723 = arith.constant 5 : i32
      %get3A_724 = arith.index_cast %get3A_723 : i32 to index
      %get3A_725 = arith.constant 160 : index
      %get3A_726 = tpu.vector_load %arg7[%get3A_724, %get3A_725] {strides = array<i32>} : memref<8x208xf32, #tpu.memory_space<vmem>>, vector<16xf32>,
      %add3A_727 = arith.addf %add3A_722, %get3A_726 : vector<16xf32>
      %get3A_728 = arith.constant 5 : i32
      %get3A_729 = arith.index_cast %get3A_728 : i32 to index
      %get3A_730 = arith.constant 176 : index
      %get3A_731 = tpu.vector_load %arg7[%get3A_729, %get3A_730] {strides = array<i32>} : memref<8x208xf32, #tpu.memory_space<vmem>>, vector<16xf32>,
      %add3A_732 = arith.addf %add3A_727, %get3A_731 : vector<16xf32>
      %get3A_733 = arith.constant 5 : i32
      %get3A_734 = arith.index_cast %get3A_733 : i32 to index
      %get3A_735 = arith.constant 192 : index
      %get3A_736 = tpu.vector_load %arg7[%get3A_734, %get3A_735] {strides = array<i32>} : memref<8x208xf32, #tpu.memory_space<vmem>>, vector<16xf32>,
      %add3A_737 = arith.addf %add3A_732, %get3A_736 : vector<16xf32>
      %mul3A_738 = arith.constant 16 : i32
      %mul3A_739 = arith.muli %add3A_661, %mul3A_738 : i32
      %swap3A_740 = arith.index_cast %mul3A_739 : i32 to index
      %swap3A_741 = tpu.vector_load %arg8[%swap3A_740] {strides = array<i32>} : memref<8192xf32, #tpu.memory_space<vmem>>, vector<16xf32>,
      tpu.vector_store %arg8[%swap3A_740], %add3A_737 {strides = array<i32>} : memref<8192xf32, #tpu.memory_space<vmem>>, vector<16xf32>,
      %add3A_742 = arith.constant 8 : i32
      %add3A_743 = arith.addi %add3A_661, %add3A_742 : i32
      %lt3A_744 = arith.constant 512 : i32
      %lt3A_745 = arith.cmpi slt, %add3A_743, %lt3A_744 : i32
      %convert_element_type3A_746 = arith.extui %lt3A_745 : i1 to i32
      %cond3A_747 = arith.constant 0 : i32
      %cond3A_748 = arith.cmpi ne, %convert_element_type3A_746, %cond3A_747 : i32
      scf.if %cond3A_748 {
        %add3A_931 = arith.constant 8 : i32
        %add3A_932 = arith.addi %add3A_661, %add3A_931 : i32
        %dma_start3A_933 = arith.constant 5 : i32
        %dma_start3A_934 = arith.constant 0 : i32
        %dma_start3A_935 = tpu.memref_slice %arg7[%dma_start3A_933, %dma_start3A_934] : memref<8x208xf32, #tpu.memory_space<vmem>> -> memref<1x104xf32, #tpu.memory_space<vmem>>
        %dma_start3A_936 = tpu.memref_squeeze %dma_start3A_935 : memref<1x104xf32, #tpu.memory_space<vmem>> -> memref<104xf32, #tpu.memory_space<vmem>>
        %dma_start3A_937 = arith.constant 0 : i32
        %dma_start3A_938 = tpu.memref_slice %arg6[%add3A_932, %dma_start3A_937] : memref<512x200xi32, #tpu.memory_space<vmem>> -> memref<1x104xi32, #tpu.memory_space<vmem>>
        %dma_start3A_939 = tpu.memref_squeeze %dma_start3A_938 : memref<1x104xi32, #tpu.memory_space<vmem>> -> memref<104xi32, #tpu.memory_space<vmem>>
        %dma_start3A_940 = arith.constant 0 : i32
        %dma_start3A_941 = tpu.memref_slice %arg3[%dma_start3A_940] : memref<1000000xf32, #tpu.memory_space<hbm>> -> memref<1000000xf32, #tpu.memory_space<hbm>>
        tpu.enqueue_indirect_dma source(%dma_start3A_941 : memref<1000000xf32, #tpu.memory_space<hbm>>) target(%dma_start3A_936 : memref<104xf32, #tpu.memory_space<vmem>>) offsets(%dma_start3A_939 : memref<104xi32, #tpu.memory_space<vmem>>) semaphore(%arg16 : memref<!tpu.dma_semaphore, #tpu.memory_space<semaphore_mem>>)
        %dma_start3A_942 = arith.constant 5 : i32
        %dma_start3A_943 = arith.constant 104 : i32
        %dma_start3A_944 = tpu.memref_slice %arg7[%dma_start3A_942, %dma_start3A_943] : memref<8x208xf32, #tpu.memory_space<vmem>> -> memref<1x96xf32, #tpu.memory_space<vmem>>
        %dma_start3A_945 = tpu.memref_squeeze %dma_start3A_944 : memref<1x96xf32, #tpu.memory_space<vmem>> -> memref<96xf32, #tpu.memory_space<vmem>>
        %dma_start3A_946 = arith.constant 104 : i32
        %dma_start3A_947 = tpu.memref_slice %arg6[%add3A_932, %dma_start3A_946] : memref<512x200xi32, #tpu.memory_space<vmem>> -> memref<1x96xi32, #tpu.memory_space<vmem>>
        %dma_start3A_948 = tpu.memref_squeeze %dma_start3A_947 : memref<1x96xi32, #tpu.memory_space<vmem>> -> memref<96xi32, #tpu.memory_space<vmem>>
        %dma_start3A_949 = arith.constant 0 : i32
        %dma_start3A_950 = tpu.memref_slice %arg3[%dma_start3A_949] : memref<1000000xf32, #tpu.memory_space<hbm>> -> memref<1000000xf32, #tpu.memory_space<hbm>>
        tpu.enqueue_indirect_dma source(%dma_start3A_950 : memref<1000000xf32, #tpu.memory_space<hbm>>) target(%dma_start3A_945 : memref<96xf32, #tpu.memory_space<vmem>>) offsets(%dma_start3A_948 : memref<96xi32, #tpu.memory_space<vmem>>) semaphore(%arg16 : memref<!tpu.dma_semaphore, #tpu.memory_space<semaphore_mem>>)
      } else {
      }
      %mul3A_749 = arith.constant 8 : i32
      %mul3A_750 = arith.muli %scan3A_206, %mul3A_749 : i32
      %add3A_751 = arith.constant 6 : i32
      %add3A_752 = arith.addi %mul3A_750, %add3A_751 : i32
      %dma_wait3A_753 = arith.constant 6 : i32
      %dma_wait3A_754 = arith.constant 0 : i32
      %dma_wait3A_755 = tpu.memref_slice %arg7[%dma_wait3A_753, %dma_wait3A_754] : memref<8x208xf32, #tpu.memory_space<vmem>> -> memref<1x200xf32, #tpu.memory_space<vmem>>
      %dma_wait3A_756 = tpu.memref_squeeze %dma_wait3A_755 : memref<1x200xf32, #tpu.memory_space<vmem>> -> memref<200xf32, #tpu.memory_space<vmem>>
      %dma_wait3A_757 = arith.constant 0 : i32
      %dma_wait3A_758 = tpu.memref_slice %arg3[%dma_wait3A_757] : memref<1000000xf32, #tpu.memory_space<hbm>> -> memref<200xf32, #tpu.memory_space<hbm>>
      %dma_wait3A_759 = arith.constant 0 : i32
      %dma_wait3A_760 = tpu.memref_slice %arg7[%dma_wait3A_753, %dma_wait3A_759] : memref<8x208xf32, #tpu.memory_space<vmem>> -> memref<1x200xf32, #tpu.memory_space<vmem>>
      %dma_wait3A_761 = tpu.memref_squeeze %dma_wait3A_760 : memref<1x200xf32, #tpu.memory_space<vmem>> -> memref<200xf32, #tpu.memory_space<vmem>>
      %dma_wait3A_762 = arith.constant 0 : i32
      %dma_wait3A_763 = tpu.memref_slice %arg3[%dma_wait3A_762] : memref<1000000xf32, #tpu.memory_space<hbm>> -> memref<200xf32, #tpu.memory_space<hbm>>
      tpu.wait_dma2 semaphore(%arg17 : memref<!tpu.dma_semaphore, #tpu.memory_space<semaphore_mem>>) src(%dma_wait3A_763 : memref<200xf32, #tpu.memory_space<hbm>>) dst(%dma_wait3A_761 : memref<200xf32, #tpu.memory_space<vmem>>)
      %get3A_764 = arith.constant 6 : i32
      %get3A_765 = arith.index_cast %get3A_764 : i32 to index
      %get3A_766 = arith.constant 0 : index
      %get3A_767 = tpu.vector_load %arg7[%get3A_765, %get3A_766] {strides = array<i32>} : memref<8x208xf32, #tpu.memory_space<vmem>>, vector<16xf32>,
      %add3A_768 = arith.addf %broadcast_in_dim3A_4, %get3A_767 : vector<16xf32>
      %get3A_769 = arith.constant 6 : i32
      %get3A_770 = arith.index_cast %get3A_769 : i32 to index
      %get3A_771 = arith.constant 16 : index
      %get3A_772 = tpu.vector_load %arg7[%get3A_770, %get3A_771] {strides = array<i32>} : memref<8x208xf32, #tpu.memory_space<vmem>>, vector<16xf32>,
      %add3A_773 = arith.addf %add3A_768, %get3A_772 : vector<16xf32>
      %get3A_774 = arith.constant 6 : i32
      %get3A_775 = arith.index_cast %get3A_774 : i32 to index
      %get3A_776 = arith.constant 32 : index
      %get3A_777 = tpu.vector_load %arg7[%get3A_775, %get3A_776] {strides = array<i32>} : memref<8x208xf32, #tpu.memory_space<vmem>>, vector<16xf32>,
      %add3A_778 = arith.addf %add3A_773, %get3A_777 : vector<16xf32>
      %get3A_779 = arith.constant 6 : i32
      %get3A_780 = arith.index_cast %get3A_779 : i32 to index
      %get3A_781 = arith.constant 48 : index
      %get3A_782 = tpu.vector_load %arg7[%get3A_780, %get3A_781] {strides = array<i32>} : memref<8x208xf32, #tpu.memory_space<vmem>>, vector<16xf32>,
      %add3A_783 = arith.addf %add3A_778, %get3A_782 : vector<16xf32>
      %get3A_784 = arith.constant 6 : i32
      %get3A_785 = arith.index_cast %get3A_784 : i32 to index
      %get3A_786 = arith.constant 64 : index
      %get3A_787 = tpu.vector_load %arg7[%get3A_785, %get3A_786] {strides = array<i32>} : memref<8x208xf32, #tpu.memory_space<vmem>>, vector<16xf32>,
      %add3A_788 = arith.addf %add3A_783, %get3A_787 : vector<16xf32>
      %get3A_789 = arith.constant 6 : i32
      %get3A_790 = arith.index_cast %get3A_789 : i32 to index
      %get3A_791 = arith.constant 80 : index
      %get3A_792 = tpu.vector_load %arg7[%get3A_790, %get3A_791] {strides = array<i32>} : memref<8x208xf32, #tpu.memory_space<vmem>>, vector<16xf32>,
      %add3A_793 = arith.addf %add3A_788, %get3A_792 : vector<16xf32>
      %get3A_794 = arith.constant 6 : i32
      %get3A_795 = arith.index_cast %get3A_794 : i32 to index
      %get3A_796 = arith.constant 96 : index
      %get3A_797 = tpu.vector_load %arg7[%get3A_795, %get3A_796] {strides = array<i32>} : memref<8x208xf32, #tpu.memory_space<vmem>>, vector<16xf32>,
      %add3A_798 = arith.addf %add3A_793, %get3A_797 : vector<16xf32>
      %get3A_799 = arith.constant 6 : i32
      %get3A_800 = arith.index_cast %get3A_799 : i32 to index
      %get3A_801 = arith.constant 112 : index
      %get3A_802 = tpu.vector_load %arg7[%get3A_800, %get3A_801] {strides = array<i32>} : memref<8x208xf32, #tpu.memory_space<vmem>>, vector<16xf32>,
      %add3A_803 = arith.addf %add3A_798, %get3A_802 : vector<16xf32>
      %get3A_804 = arith.constant 6 : i32
      %get3A_805 = arith.index_cast %get3A_804 : i32 to index
      %get3A_806 = arith.constant 128 : index
      %get3A_807 = tpu.vector_load %arg7[%get3A_805, %get3A_806] {strides = array<i32>} : memref<8x208xf32, #tpu.memory_space<vmem>>, vector<16xf32>,
      %add3A_808 = arith.addf %add3A_803, %get3A_807 : vector<16xf32>
      %get3A_809 = arith.constant 6 : i32
      %get3A_810 = arith.index_cast %get3A_809 : i32 to index
      %get3A_811 = arith.constant 144 : index
      %get3A_812 = tpu.vector_load %arg7[%get3A_810, %get3A_811] {strides = array<i32>} : memref<8x208xf32, #tpu.memory_space<vmem>>, vector<16xf32>,
      %add3A_813 = arith.addf %add3A_808, %get3A_812 : vector<16xf32>
      %get3A_814 = arith.constant 6 : i32
      %get3A_815 = arith.index_cast %get3A_814 : i32 to index
      %get3A_816 = arith.constant 160 : index
      %get3A_817 = tpu.vector_load %arg7[%get3A_815, %get3A_816] {strides = array<i32>} : memref<8x208xf32, #tpu.memory_space<vmem>>, vector<16xf32>,
      %add3A_818 = arith.addf %add3A_813, %get3A_817 : vector<16xf32>
      %get3A_819 = arith.constant 6 : i32
      %get3A_820 = arith.index_cast %get3A_819 : i32 to index
      %get3A_821 = arith.constant 176 : index
      %get3A_822 = tpu.vector_load %arg7[%get3A_820, %get3A_821] {strides = array<i32>} : memref<8x208xf32, #tpu.memory_space<vmem>>, vector<16xf32>,
      %add3A_823 = arith.addf %add3A_818, %get3A_822 : vector<16xf32>
      %get3A_824 = arith.constant 6 : i32
      %get3A_825 = arith.index_cast %get3A_824 : i32 to index
      %get3A_826 = arith.constant 192 : index
      %get3A_827 = tpu.vector_load %arg7[%get3A_825, %get3A_826] {strides = array<i32>} : memref<8x208xf32, #tpu.memory_space<vmem>>, vector<16xf32>,
      %add3A_828 = arith.addf %add3A_823, %get3A_827 : vector<16xf32>
      %mul3A_829 = arith.constant 16 : i32
      %mul3A_830 = arith.muli %add3A_752, %mul3A_829 : i32
      %swap3A_831 = arith.index_cast %mul3A_830 : i32 to index
      %swap3A_832 = tpu.vector_load %arg8[%swap3A_831] {strides = array<i32>} : memref<8192xf32, #tpu.memory_space<vmem>>, vector<16xf32>,
      tpu.vector_store %arg8[%swap3A_831], %add3A_828 {strides = array<i32>} : memref<8192xf32, #tpu.memory_space<vmem>>, vector<16xf32>,
      %add3A_833 = arith.constant 8 : i32
      %add3A_834 = arith.addi %add3A_752, %add3A_833 : i32
      %lt3A_835 = arith.constant 512 : i32
      %lt3A_836 = arith.cmpi slt, %add3A_834, %lt3A_835 : i32
      %convert_element_type3A_837 = arith.extui %lt3A_836 : i1 to i32
      %cond3A_838 = arith.constant 0 : i32
      %cond3A_839 = arith.cmpi ne, %convert_element_type3A_837, %cond3A_838 : i32
      scf.if %cond3A_839 {
        %add3A_931 = arith.constant 8 : i32
        %add3A_932 = arith.addi %add3A_752, %add3A_931 : i32
        %dma_start3A_933 = arith.constant 6 : i32
        %dma_start3A_934 = arith.constant 0 : i32
        %dma_start3A_935 = tpu.memref_slice %arg7[%dma_start3A_933, %dma_start3A_934] : memref<8x208xf32, #tpu.memory_space<vmem>> -> memref<1x104xf32, #tpu.memory_space<vmem>>
        %dma_start3A_936 = tpu.memref_squeeze %dma_start3A_935 : memref<1x104xf32, #tpu.memory_space<vmem>> -> memref<104xf32, #tpu.memory_space<vmem>>
        %dma_start3A_937 = arith.constant 0 : i32
        %dma_start3A_938 = tpu.memref_slice %arg6[%add3A_932, %dma_start3A_937] : memref<512x200xi32, #tpu.memory_space<vmem>> -> memref<1x104xi32, #tpu.memory_space<vmem>>
        %dma_start3A_939 = tpu.memref_squeeze %dma_start3A_938 : memref<1x104xi32, #tpu.memory_space<vmem>> -> memref<104xi32, #tpu.memory_space<vmem>>
        %dma_start3A_940 = arith.constant 0 : i32
        %dma_start3A_941 = tpu.memref_slice %arg3[%dma_start3A_940] : memref<1000000xf32, #tpu.memory_space<hbm>> -> memref<1000000xf32, #tpu.memory_space<hbm>>
        tpu.enqueue_indirect_dma source(%dma_start3A_941 : memref<1000000xf32, #tpu.memory_space<hbm>>) target(%dma_start3A_936 : memref<104xf32, #tpu.memory_space<vmem>>) offsets(%dma_start3A_939 : memref<104xi32, #tpu.memory_space<vmem>>) semaphore(%arg17 : memref<!tpu.dma_semaphore, #tpu.memory_space<semaphore_mem>>)
        %dma_start3A_942 = arith.constant 6 : i32
        %dma_start3A_943 = arith.constant 104 : i32
        %dma_start3A_944 = tpu.memref_slice %arg7[%dma_start3A_942, %dma_start3A_943] : memref<8x208xf32, #tpu.memory_space<vmem>> -> memref<1x96xf32, #tpu.memory_space<vmem>>
        %dma_start3A_945 = tpu.memref_squeeze %dma_start3A_944 : memref<1x96xf32, #tpu.memory_space<vmem>> -> memref<96xf32, #tpu.memory_space<vmem>>
        %dma_start3A_946 = arith.constant 104 : i32
        %dma_start3A_947 = tpu.memref_slice %arg6[%add3A_932, %dma_start3A_946] : memref<512x200xi32, #tpu.memory_space<vmem>> -> memref<1x96xi32, #tpu.memory_space<vmem>>
        %dma_start3A_948 = tpu.memref_squeeze %dma_start3A_947 : memref<1x96xi32, #tpu.memory_space<vmem>> -> memref<96xi32, #tpu.memory_space<vmem>>
        %dma_start3A_949 = arith.constant 0 : i32
        %dma_start3A_950 = tpu.memref_slice %arg3[%dma_start3A_949] : memref<1000000xf32, #tpu.memory_space<hbm>> -> memref<1000000xf32, #tpu.memory_space<hbm>>
        tpu.enqueue_indirect_dma source(%dma_start3A_950 : memref<1000000xf32, #tpu.memory_space<hbm>>) target(%dma_start3A_945 : memref<96xf32, #tpu.memory_space<vmem>>) offsets(%dma_start3A_948 : memref<96xi32, #tpu.memory_space<vmem>>) semaphore(%arg17 : memref<!tpu.dma_semaphore, #tpu.memory_space<semaphore_mem>>)
      } else {
      }
      %mul3A_840 = arith.constant 8 : i32
      %mul3A_841 = arith.muli %scan3A_206, %mul3A_840 : i32
      %add3A_842 = arith.constant 7 : i32
      %add3A_843 = arith.addi %mul3A_841, %add3A_842 : i32
      %dma_wait3A_844 = arith.constant 7 : i32
      %dma_wait3A_845 = arith.constant 0 : i32
      %dma_wait3A_846 = tpu.memref_slice %arg7[%dma_wait3A_844, %dma_wait3A_845] : memref<8x208xf32, #tpu.memory_space<vmem>> -> memref<1x200xf32, #tpu.memory_space<vmem>>
      %dma_wait3A_847 = tpu.memref_squeeze %dma_wait3A_846 : memref<1x200xf32, #tpu.memory_space<vmem>> -> memref<200xf32, #tpu.memory_space<vmem>>
      %dma_wait3A_848 = arith.constant 0 : i32
      %dma_wait3A_849 = tpu.memref_slice %arg3[%dma_wait3A_848] : memref<1000000xf32, #tpu.memory_space<hbm>> -> memref<200xf32, #tpu.memory_space<hbm>>
      %dma_wait3A_850 = arith.constant 0 : i32
      %dma_wait3A_851 = tpu.memref_slice %arg7[%dma_wait3A_844, %dma_wait3A_850] : memref<8x208xf32, #tpu.memory_space<vmem>> -> memref<1x200xf32, #tpu.memory_space<vmem>>
      %dma_wait3A_852 = tpu.memref_squeeze %dma_wait3A_851 : memref<1x200xf32, #tpu.memory_space<vmem>> -> memref<200xf32, #tpu.memory_space<vmem>>
      %dma_wait3A_853 = arith.constant 0 : i32
      %dma_wait3A_854 = tpu.memref_slice %arg3[%dma_wait3A_853] : memref<1000000xf32, #tpu.memory_space<hbm>> -> memref<200xf32, #tpu.memory_space<hbm>>
      tpu.wait_dma2 semaphore(%arg18 : memref<!tpu.dma_semaphore, #tpu.memory_space<semaphore_mem>>) src(%dma_wait3A_854 : memref<200xf32, #tpu.memory_space<hbm>>) dst(%dma_wait3A_852 : memref<200xf32, #tpu.memory_space<vmem>>)
      %get3A_855 = arith.constant 7 : i32
      %get3A_856 = arith.index_cast %get3A_855 : i32 to index
      %get3A_857 = arith.constant 0 : index
      %get3A_858 = tpu.vector_load %arg7[%get3A_856, %get3A_857] {strides = array<i32>} : memref<8x208xf32, #tpu.memory_space<vmem>>, vector<16xf32>,
      %add3A_859 = arith.addf %broadcast_in_dim3A_4, %get3A_858 : vector<16xf32>
      %get3A_860 = arith.constant 7 : i32
      %get3A_861 = arith.index_cast %get3A_860 : i32 to index
      %get3A_862 = arith.constant 16 : index
      %get3A_863 = tpu.vector_load %arg7[%get3A_861, %get3A_862] {strides = array<i32>} : memref<8x208xf32, #tpu.memory_space<vmem>>, vector<16xf32>,
      %add3A_864 = arith.addf %add3A_859, %get3A_863 : vector<16xf32>
      %get3A_865 = arith.constant 7 : i32
      %get3A_866 = arith.index_cast %get3A_865 : i32 to index
      %get3A_867 = arith.constant 32 : index
      %get3A_868 = tpu.vector_load %arg7[%get3A_866, %get3A_867] {strides = array<i32>} : memref<8x208xf32, #tpu.memory_space<vmem>>, vector<16xf32>,
      %add3A_869 = arith.addf %add3A_864, %get3A_868 : vector<16xf32>
      %get3A_870 = arith.constant 7 : i32
      %get3A_871 = arith.index_cast %get3A_870 : i32 to index
      %get3A_872 = arith.constant 48 : index
      %get3A_873 = tpu.vector_load %arg7[%get3A_871, %get3A_872] {strides = array<i32>} : memref<8x208xf32, #tpu.memory_space<vmem>>, vector<16xf32>,
      %add3A_874 = arith.addf %add3A_869, %get3A_873 : vector<16xf32>
      %get3A_875 = arith.constant 7 : i32
      %get3A_876 = arith.index_cast %get3A_875 : i32 to index
      %get3A_877 = arith.constant 64 : index
      %get3A_878 = tpu.vector_load %arg7[%get3A_876, %get3A_877] {strides = array<i32>} : memref<8x208xf32, #tpu.memory_space<vmem>>, vector<16xf32>,
      %add3A_879 = arith.addf %add3A_874, %get3A_878 : vector<16xf32>
      %get3A_880 = arith.constant 7 : i32
      %get3A_881 = arith.index_cast %get3A_880 : i32 to index
      %get3A_882 = arith.constant 80 : index
      %get3A_883 = tpu.vector_load %arg7[%get3A_881, %get3A_882] {strides = array<i32>} : memref<8x208xf32, #tpu.memory_space<vmem>>, vector<16xf32>,
      %add3A_884 = arith.addf %add3A_879, %get3A_883 : vector<16xf32>
      %get3A_885 = arith.constant 7 : i32
      %get3A_886 = arith.index_cast %get3A_885 : i32 to index
      %get3A_887 = arith.constant 96 : index
      %get3A_888 = tpu.vector_load %arg7[%get3A_886, %get3A_887] {strides = array<i32>} : memref<8x208xf32, #tpu.memory_space<vmem>>, vector<16xf32>,
      %add3A_889 = arith.addf %add3A_884, %get3A_888 : vector<16xf32>
      %get3A_890 = arith.constant 7 : i32
      %get3A_891 = arith.index_cast %get3A_890 : i32 to index
      %get3A_892 = arith.constant 112 : index
      %get3A_893 = tpu.vector_load %arg7[%get3A_891, %get3A_892] {strides = array<i32>} : memref<8x208xf32, #tpu.memory_space<vmem>>, vector<16xf32>,
      %add3A_894 = arith.addf %add3A_889, %get3A_893 : vector<16xf32>
      %get3A_895 = arith.constant 7 : i32
      %get3A_896 = arith.index_cast %get3A_895 : i32 to index
      %get3A_897 = arith.constant 128 : index
      %get3A_898 = tpu.vector_load %arg7[%get3A_896, %get3A_897] {strides = array<i32>} : memref<8x208xf32, #tpu.memory_space<vmem>>, vector<16xf32>,
      %add3A_899 = arith.addf %add3A_894, %get3A_898 : vector<16xf32>
      %get3A_900 = arith.constant 7 : i32
      %get3A_901 = arith.index_cast %get3A_900 : i32 to index
      %get3A_902 = arith.constant 144 : index
      %get3A_903 = tpu.vector_load %arg7[%get3A_901, %get3A_902] {strides = array<i32>} : memref<8x208xf32, #tpu.memory_space<vmem>>, vector<16xf32>,
      %add3A_904 = arith.addf %add3A_899, %get3A_903 : vector<16xf32>
      %get3A_905 = arith.constant 7 : i32
      %get3A_906 = arith.index_cast %get3A_905 : i32 to index
      %get3A_907 = arith.constant 160 : index
      %get3A_908 = tpu.vector_load %arg7[%get3A_906, %get3A_907] {strides = array<i32>} : memref<8x208xf32, #tpu.memory_space<vmem>>, vector<16xf32>,
      %add3A_909 = arith.addf %add3A_904, %get3A_908 : vector<16xf32>
      %get3A_910 = arith.constant 7 : i32
      %get3A_911 = arith.index_cast %get3A_910 : i32 to index
      %get3A_912 = arith.constant 176 : index
      %get3A_913 = tpu.vector_load %arg7[%get3A_911, %get3A_912] {strides = array<i32>} : memref<8x208xf32, #tpu.memory_space<vmem>>, vector<16xf32>,
      %add3A_914 = arith.addf %add3A_909, %get3A_913 : vector<16xf32>
      %get3A_915 = arith.constant 7 : i32
      %get3A_916 = arith.index_cast %get3A_915 : i32 to index
      %get3A_917 = arith.constant 192 : index
      %get3A_918 = tpu.vector_load %arg7[%get3A_916, %get3A_917] {strides = array<i32>} : memref<8x208xf32, #tpu.memory_space<vmem>>, vector<16xf32>,
      %add3A_919 = arith.addf %add3A_914, %get3A_918 : vector<16xf32>
      %mul3A_920 = arith.constant 16 : i32
      %mul3A_921 = arith.muli %add3A_843, %mul3A_920 : i32
      %swap3A_922 = arith.index_cast %mul3A_921 : i32 to index
      %swap3A_923 = tpu.vector_load %arg8[%swap3A_922] {strides = array<i32>} : memref<8192xf32, #tpu.memory_space<vmem>>, vector<16xf32>,
      tpu.vector_store %arg8[%swap3A_922], %add3A_919 {strides = array<i32>} : memref<8192xf32, #tpu.memory_space<vmem>>, vector<16xf32>,
      %add3A_924 = arith.constant 8 : i32
      %add3A_925 = arith.addi %add3A_843, %add3A_924 : i32
      %lt3A_926 = arith.constant 512 : i32
      %lt3A_927 = arith.cmpi slt, %add3A_925, %lt3A_926 : i32
      %convert_element_type3A_928 = arith.extui %lt3A_927 : i1 to i32
      %cond3A_929 = arith.constant 0 : i32
      %cond3A_930 = arith.cmpi ne, %convert_element_type3A_928, %cond3A_929 : i32
      scf.if %cond3A_930 {
        %add3A_931 = arith.constant 8 : i32
        %add3A_932 = arith.addi %add3A_843, %add3A_931 : i32
        %dma_start3A_933 = arith.constant 7 : i32
        %dma_start3A_934 = arith.constant 0 : i32
        %dma_start3A_935 = tpu.memref_slice %arg7[%dma_start3A_933, %dma_start3A_934] : memref<8x208xf32, #tpu.memory_space<vmem>> -> memref<1x104xf32, #tpu.memory_space<vmem>>
        %dma_start3A_936 = tpu.memref_squeeze %dma_start3A_935 : memref<1x104xf32, #tpu.memory_space<vmem>> -> memref<104xf32, #tpu.memory_space<vmem>>
        %dma_start3A_937 = arith.constant 0 : i32
        %dma_start3A_938 = tpu.memref_slice %arg6[%add3A_932, %dma_start3A_937] : memref<512x200xi32, #tpu.memory_space<vmem>> -> memref<1x104xi32, #tpu.memory_space<vmem>>
        %dma_start3A_939 = tpu.memref_squeeze %dma_start3A_938 : memref<1x104xi32, #tpu.memory_space<vmem>> -> memref<104xi32, #tpu.memory_space<vmem>>
        %dma_start3A_940 = arith.constant 0 : i32
        %dma_start3A_941 = tpu.memref_slice %arg3[%dma_start3A_940] : memref<1000000xf32, #tpu.memory_space<hbm>> -> memref<1000000xf32, #tpu.memory_space<hbm>>
        tpu.enqueue_indirect_dma source(%dma_start3A_941 : memref<1000000xf32, #tpu.memory_space<hbm>>) target(%dma_start3A_936 : memref<104xf32, #tpu.memory_space<vmem>>) offsets(%dma_start3A_939 : memref<104xi32, #tpu.memory_space<vmem>>) semaphore(%arg18 : memref<!tpu.dma_semaphore, #tpu.memory_space<semaphore_mem>>)
        %dma_start3A_942 = arith.constant 7 : i32
        %dma_start3A_943 = arith.constant 104 : i32
        %dma_start3A_944 = tpu.memref_slice %arg7[%dma_start3A_942, %dma_start3A_943] : memref<8x208xf32, #tpu.memory_space<vmem>> -> memref<1x96xf32, #tpu.memory_space<vmem>>
        %dma_start3A_945 = tpu.memref_squeeze %dma_start3A_944 : memref<1x96xf32, #tpu.memory_space<vmem>> -> memref<96xf32, #tpu.memory_space<vmem>>
        %dma_start3A_946 = arith.constant 104 : i32
        %dma_start3A_947 = tpu.memref_slice %arg6[%add3A_932, %dma_start3A_946] : memref<512x200xi32, #tpu.memory_space<vmem>> -> memref<1x96xi32, #tpu.memory_space<vmem>>
        %dma_start3A_948 = tpu.memref_squeeze %dma_start3A_947 : memref<1x96xi32, #tpu.memory_space<vmem>> -> memref<96xi32, #tpu.memory_space<vmem>>
        %dma_start3A_949 = arith.constant 0 : i32
        %dma_start3A_950 = tpu.memref_slice %arg3[%dma_start3A_949] : memref<1000000xf32, #tpu.memory_space<hbm>> -> memref<1000000xf32, #tpu.memory_space<hbm>>
        tpu.enqueue_indirect_dma source(%dma_start3A_950 : memref<1000000xf32, #tpu.memory_space<hbm>>) target(%dma_start3A_945 : memref<96xf32, #tpu.memory_space<vmem>>) offsets(%dma_start3A_948 : memref<96xi32, #tpu.memory_space<vmem>>) semaphore(%arg18 : memref<!tpu.dma_semaphore, #tpu.memory_space<semaphore_mem>>)
      } else {
      }
    }
    %scan3A_199 = arith.constant 64 : i32
    %scan3A_200 = arith.constant 0 : i32
    %scan3A_201 = arith.constant 0 : i32
    %scan3A_202 = arith.constant 32 : i32
    %scan3A_203 = arith.addi %scan3A_201, %scan3A_202 : i32
    %scan3A_204 = arith.constant 1 : i32
    scf.for %scan3A_206 = %scan3A_201 to %scan3A_203 step %scan3A_204  : i32 {
      %mul3A_207 = arith.constant 16 : i32
      %mul3A_208 = arith.muli %scan3A_206, %mul3A_207 : i32
      %iota3A = tpu.iota {dimensions = array<i32: 0>} : vector<16xi32>
      %add3A_209 = vector.broadcast %mul3A_208 : i32 to vector<16xi32>
      %add3A_210 = arith.addi %add3A_209, %iota3A : vector<16xi32>
      %mul3A_211 = arith.constant 16 : i32
      %mul3A_212 = vector.broadcast %mul3A_211 : i32 to vector<16xi32>
      %mul3A_213 = arith.muli %add3A_210, %mul3A_212 : vector<16xi32>
      %broadcast_in_dim3A_214 = arith.constant 0.000000e+00 : f32
      %broadcast_in_dim3A_215 = vector.broadcast %broadcast_in_dim3A_214 : f32 to vector<16xf32>
      %add3A_216 = arith.constant 0 : i32
      %add3A_217 = vector.broadcast %add3A_216 : i32 to vector<16xi32>
      %add3A_218 = arith.addi %mul3A_213, %add3A_217 : vector<16xi32>
      %gather3A = tpu.vector_load_idx %arg8[%add3A_218] : memref<8192xf32, #tpu.memory_space<vmem>>[vector<16xi32>], vector<16xf32>,
      %add3A_219 = arith.addf %broadcast_in_dim3A_215, %gather3A : vector<16xf32>
      %add3A_220 = arith.constant 1 : i32
      %add3A_221 = vector.broadcast %add3A_220 : i32 to vector<16xi32>
      %add3A_222 = arith.addi %mul3A_213, %add3A_221 : vector<16xi32>
      %gather3A_223 = tpu.vector_load_idx %arg8[%add3A_222] : memref<8192xf32, #tpu.memory_space<vmem>>[vector<16xi32>], vector<16xf32>,
      %add3A_224 = arith.addf %add3A_219, %gather3A_223 : vector<16xf32>
      %add3A_225 = arith.constant 2 : i32
      %add3A_226 = vector.broadcast %add3A_225 : i32 to vector<16xi32>
      %add3A_227 = arith.addi %mul3A_213, %add3A_226 : vector<16xi32>
      %gather3A_228 = tpu.vector_load_idx %arg8[%add3A_227] : memref<8192xf32, #tpu.memory_space<vmem>>[vector<16xi32>], vector<16xf32>,
      %add3A_229 = arith.addf %add3A_224, %gather3A_228 : vector<16xf32>
      %add3A_230 = arith.constant 3 : i32
      %add3A_231 = vector.broadcast %add3A_230 : i32 to vector<16xi32>
      %add3A_232 = arith.addi %mul3A_213, %add3A_231 : vector<16xi32>
      %gather3A_233 = tpu.vector_load_idx %arg8[%add3A_232] : memref<8192xf32, #tpu.memory_space<vmem>>[vector<16xi32>], vector<16xf32>,
      %add3A_234 = arith.addf %add3A_229, %gather3A_233 : vector<16xf32>
      %add3A_235 = arith.constant 4 : i32
      %add3A_236 = vector.broadcast %add3A_235 : i32 to vector<16xi32>
      %add3A_237 = arith.addi %mul3A_213, %add3A_236 : vector<16xi32>
      %gather3A_238 = tpu.vector_load_idx %arg8[%add3A_237] : memref<8192xf32, #tpu.memory_space<vmem>>[vector<16xi32>], vector<16xf32>,
      %add3A_239 = arith.addf %add3A_234, %gather3A_238 : vector<16xf32>
      %add3A_240 = arith.constant 5 : i32
      %add3A_241 = vector.broadcast %add3A_240 : i32 to vector<16xi32>
      %add3A_242 = arith.addi %mul3A_213, %add3A_241 : vector<16xi32>
      %gather3A_243 = tpu.vector_load_idx %arg8[%add3A_242] : memref<8192xf32, #tpu.memory_space<vmem>>[vector<16xi32>], vector<16xf32>,
      %add3A_244 = arith.addf %add3A_239, %gather3A_243 : vector<16xf32>
      %add3A_245 = arith.constant 6 : i32
      %add3A_246 = vector.broadcast %add3A_245 : i32 to vector<16xi32>
      %add3A_247 = arith.addi %mul3A_213, %add3A_246 : vector<16xi32>
      %gather3A_248 = tpu.vector_load_idx %arg8[%add3A_247] : memref<8192xf32, #tpu.memory_space<vmem>>[vector<16xi32>], vector<16xf32>,
      %add3A_249 = arith.addf %add3A_244, %gather3A_248 : vector<16xf32>
      %add3A_250 = arith.constant 7 : i32
      %add3A_251 = vector.broadcast %add3A_250 : i32 to vector<16xi32>
      %add3A_252 = arith.addi %mul3A_213, %add3A_251 : vector<16xi32>
      %gather3A_253 = tpu.vector_load_idx %arg8[%add3A_252] : memref<8192xf32, #tpu.memory_space<vmem>>[vector<16xi32>], vector<16xf32>,
      %add3A_254 = arith.addf %add3A_249, %gather3A_253 : vector<16xf32>
      %add3A_255 = arith.constant 8 : i32
      %add3A_256 = vector.broadcast %add3A_255 : i32 to vector<16xi32>
      %add3A_257 = arith.addi %mul3A_213, %add3A_256 : vector<16xi32>
      %gather3A_258 = tpu.vector_load_idx %arg8[%add3A_257] : memref<8192xf32, #tpu.memory_space<vmem>>[vector<16xi32>], vector<16xf32>,
      %add3A_259 = arith.addf %add3A_254, %gather3A_258 : vector<16xf32>
      %add3A_260 = arith.constant 9 : i32
      %add3A_261 = vector.broadcast %add3A_260 : i32 to vector<16xi32>
      %add3A_262 = arith.addi %mul3A_213, %add3A_261 : vector<16xi32>
      %gather3A_263 = tpu.vector_load_idx %arg8[%add3A_262] : memref<8192xf32, #tpu.memory_space<vmem>>[vector<16xi32>], vector<16xf32>,
      %add3A_264 = arith.addf %add3A_259, %gather3A_263 : vector<16xf32>
      %add3A_265 = arith.constant 10 : i32
      %add3A_266 = vector.broadcast %add3A_265 : i32 to vector<16xi32>
      %add3A_267 = arith.addi %mul3A_213, %add3A_266 : vector<16xi32>
      %gather3A_268 = tpu.vector_load_idx %arg8[%add3A_267] : memref<8192xf32, #tpu.memory_space<vmem>>[vector<16xi32>], vector<16xf32>,
      %add3A_269 = arith.addf %add3A_264, %gather3A_268 : vector<16xf32>
      %add3A_270 = arith.constant 11 : i32
      %add3A_271 = vector.broadcast %add3A_270 : i32 to vector<16xi32>
      %add3A_272 = arith.addi %mul3A_213, %add3A_271 : vector<16xi32>
      %gather3A_273 = tpu.vector_load_idx %arg8[%add3A_272] : memref<8192xf32, #tpu.memory_space<vmem>>[vector<16xi32>], vector<16xf32>,
      %add3A_274 = arith.addf %add3A_269, %gather3A_273 : vector<16xf32>
      %add3A_275 = arith.constant 12 : i32
      %add3A_276 = vector.broadcast %add3A_275 : i32 to vector<16xi32>
      %add3A_277 = arith.addi %mul3A_213, %add3A_276 : vector<16xi32>
      %gather3A_278 = tpu.vector_load_idx %arg8[%add3A_277] : memref<8192xf32, #tpu.memory_space<vmem>>[vector<16xi32>], vector<16xf32>,
      %add3A_279 = arith.addf %add3A_274, %gather3A_278 : vector<16xf32>
      %add3A_280 = arith.constant 13 : i32
      %add3A_281 = vector.broadcast %add3A_280 : i32 to vector<16xi32>
      %add3A_282 = arith.addi %mul3A_213, %add3A_281 : vector<16xi32>
      %gather3A_283 = tpu.vector_load_idx %arg8[%add3A_282] : memref<8192xf32, #tpu.memory_space<vmem>>[vector<16xi32>], vector<16xf32>,
      %add3A_284 = arith.addf %add3A_279, %gather3A_283 : vector<16xf32>
      %add3A_285 = arith.constant 14 : i32
      %add3A_286 = vector.broadcast %add3A_285 : i32 to vector<16xi32>
      %add3A_287 = arith.addi %mul3A_213, %add3A_286 : vector<16xi32>
      %gather3A_288 = tpu.vector_load_idx %arg8[%add3A_287] : memref<8192xf32, #tpu.memory_space<vmem>>[vector<16xi32>], vector<16xf32>,
      %add3A_289 = arith.addf %add3A_284, %gather3A_288 : vector<16xf32>
      %add3A_290 = arith.constant 15 : i32
      %add3A_291 = vector.broadcast %add3A_290 : i32 to vector<16xi32>
      %add3A_292 = arith.addi %mul3A_213, %add3A_291 : vector<16xi32>
      %gather3A_293 = tpu.vector_load_idx %arg8[%add3A_292] : memref<8192xf32, #tpu.memory_space<vmem>>[vector<16xi32>], vector<16xf32>,
      %add3A_294 = arith.addf %add3A_289, %gather3A_293 : vector<16xf32>
      %div3A = arith.constant 2.000000e+02 : f32
      %div3A_295 = vector.broadcast %div3A : f32 to vector<16xf32>
      %div3A_296 = arith.divf %add3A_294, %div3A_295 : vector<16xf32>
      %add3A_297 = arith.addf %div3A_296, %get3A_3 : vector<16xf32>
      %neg3A = arith.constant 0.000000e+00 : f32
      %neg3A_298 = vector.broadcast %neg3A : f32 to vector<16xf32>
      %neg3A_299 = arith.subf %neg3A_298, %add3A_297 : vector<16xf32>
      %exp3A = math.exp %neg3A_299 : vector<16xf32>
      %add3A_300 = arith.constant 1.000000e+00 : f32
      %add3A_301 = vector.broadcast %add3A_300 : f32 to vector<16xf32>
      %add3A_302 = arith.addf %add3A_301, %exp3A : vector<16xf32>
      %div3A_303 = arith.constant 1.000000e+00 : f32
      %div3A_304 = vector.broadcast %div3A_303 : f32 to vector<16xf32>
      %div3A_305 = arith.divf %div3A_304, %add3A_302 : vector<16xf32>
      %mul3A_306 = arith.constant 1.000000e+04 : f32
      %mul3A_307 = vector.broadcast %mul3A_306 : f32 to vector<16xf32>
      %mul3A_308 = arith.mulf %div3A_305, %mul3A_307 : vector<16xf32>
      %add3A_309 = arith.constant 0x4B000000 : f32
      %add3A_310 = vector.broadcast %add3A_309 : f32 to vector<16xf32>
      %add3A_311 = arith.addf %mul3A_308, %add3A_310 : vector<16xf32>
      %sub3A = arith.constant 0x4B000000 : f32
      %sub3A_312 = vector.broadcast %sub3A : f32 to vector<16xf32>
      %sub3A_313 = arith.subf %add3A_311, %sub3A_312 : vector<16xf32>
      %div3A_314 = arith.constant 1.000000e+04 : f32
      %div3A_315 = vector.broadcast %div3A_314 : f32 to vector<16xf32>
      %div3A_316 = arith.divf %sub3A_313, %div3A_315 : vector<16xf32>
      %mul3A_317 = arith.constant 16 : i32
      %mul3A_318 = arith.muli %scan3A_206, %mul3A_317 : i32
      %swap3A_319 = arith.index_cast %mul3A_318 : i32 to index
      %swap3A_320 = tpu.vector_load %arg9[%swap3A_319] {strides = array<i32>} : memref<512xf32, #tpu.memory_space<vmem>>, vector<16xf32>,
      tpu.vector_store %arg9[%swap3A_319], %div3A_316 {strides = array<i32>} : memref<512xf32, #tpu.memory_space<vmem>>, vector<16xf32>,
    }
    %scan3A_205 = arith.constant 32 : i32
    "tpu.region"() ({
      %run_scoped3A = tpu.sem_alloc : memref<!tpu.dma_semaphore, #tpu.memory_space<semaphore_mem>>
      %dma_start3A_206 = tpu.memref_slice %arg5[%mul3A_2] : memref<16384xf32, #tpu.memory_space<hbm>> -> memref<512xf32, #tpu.memory_space<hbm>>
      %dma_start3A_207 = tpu.memref_slice %arg5[%mul3A_2] : memref<16384xf32, #tpu.memory_space<hbm>> -> memref<512xf32, #tpu.memory_space<hbm>>
      tpu.enqueue_dma source(%arg9 : memref<512xf32, #tpu.memory_space<vmem>>) target(%dma_start3A_207 : memref<512xf32, #tpu.memory_space<hbm>>) target_semaphore(%run_scoped3A : memref<!tpu.dma_semaphore, #tpu.memory_space<semaphore_mem>>)
      %dma_wait3A = tpu.memref_slice %arg5[%mul3A_2] : memref<16384xf32, #tpu.memory_space<hbm>> -> memref<512xf32, #tpu.memory_space<hbm>>
      %dma_wait3A_208 = tpu.memref_slice %arg5[%mul3A_2] : memref<16384xf32, #tpu.memory_space<hbm>> -> memref<512xf32, #tpu.memory_space<hbm>>
      tpu.wait_dma2 semaphore(%run_scoped3A : memref<!tpu.dma_semaphore, #tpu.memory_space<semaphore_mem>>) src(%arg9 : memref<512xf32, #tpu.memory_space<vmem>>) dst(%dma_wait3A_208 : memref<512xf32, #tpu.memory_space<hbm>>)
      tpu.yield
    }) : () -> ()
    return
  }
}

</mosaic_0001>

<sc_bundles>
// kernel: _run.3.cloned.1.call-start
scs
__scs_entry_jumppad:
0x0: {  	(pc) =	sbr.rel $0x88, $3  }
0x1: {  	(tag) =	ssettag $0x0;
	lr =	simm.s32 $0x1  }
0x2: {  	[smem:$0x3F9E] =	sst lr;
	_ =	strace $0xD0000000  }
0x3: {  	_ = 	snop  }
0x4: {  	_ = 	snop  }
0x5: {  	_ = 	snop  }
0x6: {  	_ = 	snop  }
0x7: {  	_ = 	snop  }
__scs_overlays_trampoline_lowered:
0x8: {  	[smem:$0x3FAD] =	sst s0  }
0x9: {  	[smem:$0x3FAE] =	sst s1  }
0xa: {  	[smem:$0x3FAF] =	sst s2  }
0xb: {  	[smem:$0x3FB0] =	sst s3  }
0xc: {  	[smem:$0x3FB1] =	sst s4  }
0xd: {  	[smem:$0x3FB2] =	sst s5  }
0xe: {  	[smem:$0x3FB3] =	sst s6  }
0xf: {  	[smem:$0x3FB4] =	sst s7  }
0x10: {  	[smem:$0x3FB5] =	sst s8  }
0x11: {  	[smem:$0x3FB6] =	sst s9;
	s0 =	simm.s32 @!p0 $0x0  }
0x12: {  	s1 =	sld [smem:$0x3F9C];
	s0 =	simm.s32 @p0 $0x1  }
0x13: {  	[smem:$0x3FB7] =	sst s0;
	s0 =	simm.s32 @!p1 $0x0  }
0x14: {  	s2 =	sld [smem:$0x3F9B];
	s0 =	simm.s32 @p1 $0x1  }
0x15: {  	[smem:$0x3FB8] =	sst s0;
	s0 =	simm.s32 @!p2 $0x0  }
0x16: {  	s3 =	sld [smem:$0x3FDB];
	s0 =	simm.s32 @p2 $0x1  }
0x17: {  	s4 =	simm.s32 $0x1BF5;
	[smem:$0x3FBA] =	sst s0  }
0x18: {  	s0 =	sld [smem:$0x3F9D];
	_ =	swait.ge [sflag:s4], $0x0  }
0x19: {  	s7 =	sld [smem:$0x3F9E]  }
0x1a: {  	s8 =	sadd.s32 $0xFFFFE003, lr  }
0x1b: {  	s9 =	sadd.s32 $0xFFFFFEF7, lr;
	s5 =	simm.s32 $0xFFFFFFFF;
	p2 =	slt.u32 s8, $0xFFFFF086  }
0x1c: {  	p1 =	slt.u32 s9, $0xF7A;
	s5 =	simm.s32 @!p2 $0x0  }
0x1d: {  	s5 =	simm.s32 @p1 $0x1;
	p0 =	seq.s32 s7, s2  }
0x1e: {  	s7 =	smul.u32 @!p0 $0xF7A, s2;
	p2 =	seq.s32 @!p0 s5, $0x0  }
0x1f: {  	s9 =	smul.u32 $0xF7A, s1;
	s8 =	simm.s32 @!p0 $0x1BF5;
	p2 =	por !p2, p0  }
0x20: {  	[sflag:s8] =	ssyncset.s32 @!p0 $0xFFFFF086;
	s6 =	sadd.s32 @!p0 s3, s7;
	s7 =	simm.s32 @!p0 $0x108  }
0x21: {  	s3 =	sadd.s32 s3, s9;
	s6 =	sadd.s32 @!p0 $0x88, s6;
	s7 =	simm.s32 @p2 $0x1082  }
0x22: {  	[simem:s7], [sflag:s8] =	dma.local @!p0 [hbm:s6], $0xF7A  }
0x23: {  	s9 =	sor.u32 $0xD0000000, s2;
	s6 =	simm.s32 $0x108;
	_ =	swait.ge @!p0 [sflag:s8], $0x0  }
0x24: {  	s3 =	sadd.s32 $0x88, s3;
	s6 =	simm.s32 @!p1 $0x1082;
	[sflag:s4] =	ssyncset.s32 $0xFFFFF086  }
0x25: {  	[simem:s6], [sflag:s4] =	dma.local [hbm:s3], $0xF7A  }
0x26: {  	[smem:$0x3F9E] =	sst s1;
	(tag) =	ssettag s2;
	_ =	strace s9  }
0x27: {  	s1 =	sld [smem:$0x3FAE]  }
0x28: {  	s2 =	sld [smem:$0x3FAF]  }
0x29: {  	s4 =	sld [smem:$0x3FB1]  }
0x2a: {  	p0 =	seq.s32 s5, $0x0;
	s5 =	sld [smem:$0x3FB2]  }
0x2b: {  	s6 =	sld [smem:$0x3FB3]  }
0x2c: {  	s7 =	sld [smem:$0x3FB4]  }
0x2d: {  	s3 =	simm.s32 $0x108;
	s8 =	sld [smem:$0x3FB5]  }
0x2e: {  	s3 =	simm.s32 @!p0 $0x1082;
	s9 =	sld [smem:$0x3FB6]  }
0x2f: {  	lr =	sadd.s32 s0, s3;
	s0 =	sld [smem:$0x3FAD]  }
0x30: {  	s3 =	sld [smem:$0x3FB0]  }
0x31: {  	[smem:$0x3FB9] =	sst s10  }
0x32: {  	s10 =	sld [smem:$0x3FB7];
	_ =	sdelay $0x3  }
0x33: {  	p0 =	seq.s32 s10, $0x1;
	s10 =	sld [smem:$0x3FB9];
	_ =	sdelay $0x3  }
0x34: {  	[smem:$0x3FB9] =	sst s10  }
0x35: {  	s10 =	sld [smem:$0x3FB8];
	_ =	sdelay $0x3  }
0x36: {  	p1 =	seq.s32 s10, $0x1;
	s10 =	sld [smem:$0x3FB9];
	_ =	sdelay $0x3  }
0x37: {  	[smem:$0x3FB9] =	sst s10  }
0x38: {  	s10 =	sld [smem:$0x3FBA]  }
0x39: {  	_ = 	snop;
	(pc) =	sbr.ind lr, $3  }
0x3a: {  	_ = 	snop  }
0x3b: {  	_ = 	snop  }
0x3c: {  	p2 =	seq.s32 s10, $0x1;
	s10 =	sld [smem:$0x3FB9]  }
0x3d: {  	_ =	shalt  }
0x3e: {  	_ =	shalt  }
0x3f: {  	_ =	shalt  }
0x40: {  	_ =	shalt  }
0x41: {  	_ =	shalt  }
0x42: {  	_ =	shalt  }
0x43: {  	_ =	shalt  }
0x44: {  	_ =	shalt  }
0x45: {  	_ =	shalt  }
0x46: {  	_ =	shalt  }
0x47: {  	_ =	shalt  }
0x48: {  	_ =	shalt  }
0x49: {  	_ =	shalt  }
0x4a: {  	_ =	shalt  }
0x4b: {  	_ =	shalt  }
0x4c: {  	_ =	shalt  }
0x4d: {  	_ =	shalt  }
0x4e: {  	_ =	shalt  }
0x4f: {  	_ =	shalt  }
0x50: {  	_ =	shalt  }
0x51: {  	_ =	shalt  }
0x52: {  	_ =	shalt  }
0x53: {  	_ =	shalt  }
0x54: {  	_ =	shalt  }
0x55: {  	_ =	shalt  }
0x56: {  	_ =	shalt  }
0x57: {  	_ =	shalt  }
0x58: {  	_ =	shalt  }
0x59: {  	_ =	shalt  }
0x5a: {  	_ =	shalt  }
0x5b: {  	_ =	shalt  }
0x5c: {  	_ =	shalt  }
0x5d: {  	_ =	shalt  }
0x5e: {  	_ =	shalt  }
0x5f: {  	_ =	shalt  }
0x60: {  	_ =	shalt  }
0x61: {  	_ =	shalt  }
0x62: {  	_ =	shalt  }
0x63: {  	_ =	shalt  }
0x64: {  	_ =	shalt  }
0x65: {  	_ =	shalt  }
0x66: {  	_ =	shalt  }
0x67: {  	_ =	shalt  }
0x68: {  	_ =	shalt  }
0x69: {  	_ =	shalt  }
0x6a: {  	_ =	shalt  }
0x6b: {  	_ =	shalt  }
0x6c: {  	_ =	shalt  }
0x6d: {  	_ =	shalt  }
0x6e: {  	_ =	shalt  }
0x6f: {  	_ =	shalt  }
0x70: {  	_ =	shalt  }
0x71: {  	_ =	shalt  }
0x72: {  	_ =	shalt  }
0x73: {  	_ =	shalt  }
0x74: {  	_ =	shalt  }
0x75: {  	_ =	shalt  }
0x76: {  	_ =	shalt  }
0x77: {  	_ =	shalt  }
0x78: {  	_ =	shalt  }
0x79: {  	_ =	shalt  }
0x7a: {  	_ =	shalt  }
0x7b: {  	_ =	shalt  }
0x7c: {  	_ =	shalt  }
0x7d: {  	_ =	shalt  }
0x7e: {  	_ =	shalt  }
0x7f: {  	_ =	shalt  }
0x80: {  	_ =	shalt  }
0x81: {  	_ =	shalt  }
0x82: {  	_ =	shalt  }
0x83: {  	_ =	shalt  }
0x84: {  	_ =	shalt  }
0x85: {  	_ =	shalt  }
0x86: {  	_ =	shalt  }
0x87: {  	_ =	shalt  }
.Lfunc_end0:
.L_simem_size_0:
called_computation_lowered:
.L_overlay_start_0:
0x88: {  	s2 =	sld [smem:$0x3FD9]  }
0x89: {  	s3 =	sld [smem:$0x3FFE];
	_ =	sdelay $0x1  }
0x8a: {  	s1 =	srdreg.scid  }
0x8b: {  	s0 =	sand.u32 $0x1, s1  }
0x8c: {  	s17 =	sshll.u32 s0, $0xA;
	s2 =	sadd.s32 s3, s2  }
0x8d: {  	s2 =	sadd.s32 s2, s17  }
0x8e: {  	[smem:$0x3FC5] =	sst s2  }
0x8f: {  	_ = 	snop  }
0x90: {  	s2 =	sld [smem:$0x3FC8]  }
0x91: {  	s18 =	sld [smem:$0x3FC7]  }
0x92: {  	s4 =	sld [smem:$0x3FD0];
	(tm) =	ssettm $0x1  }
0x93: {  	s5 =	sld [smem:$0x3FFB];
	_ =	sdelay $0x3  }
0x94: {  	_ =	strace s5  }
0x95: {  	s5 =	sld [smem:$0x3FFC];
	_ =	sdelay $0x3  }
0x96: {  	_ =	strace s5  }
0x97: {  	s5 =	sld [smem:$0x3FFD];
	_ =	sdelay $0x3  }
0x98: {  	_ =	strace s5  }
0x99: {  	_ =	strace $0x8FFFFFFF  }
0x9a: {  	s19 =	sld [smem:$0x3FDB];
	_ =	sdelay $0x1  }
0x9b: {  	s6 =	simm.s32 $_scs_section_size  }
0x9c: {  	s7 =	simm.s32 $_size__tile_overlayer_lowered;
	s8 =	simm.s32 $_tile_overlayer_lowered  }
0x9d: {  	s22 =	simm.s32 $0x1BFF;
	s21 =	sshll.u32 s8, $0x1;
	s5 =	sadd.s32 s6, s19  }
0x9e: {  	s9 =	simm.s32 $0x0;
	s20 =	sshll.u32 s7, $0x1;
	s7 =	sadd.s32 s21, s5  }
0x9f: {  	[timem:s9], [sflag:s22] =	dma.local [hbm:s7], s20  }
0xa0: {  	_ =	swait.ge [sflag:s22], s20  }
0xa1: {  	s6 =	ssub.s32 $0x0, s20;
	[sflag:s22] =	ssyncset.done $0x0  }
0xa2: {  	[sflag:s22] =	ssyncadd.s32 s6;
	_ =	sdelay $0x1  }
0xa3: {  	s23 =	simm.s32 $0x1B8B  }
0xa4: {  	_ =	swait.ge [sflag:s23], $0x1  }
0xa5: {  	[sflag:s23] =	ssyncset.done $0x0  }
0xa6: {  	s25 =	simm.s32 $0x1B8E;
	s24 =	sld [smem:$0x3FFE];
	[sflag:s23] =	ssyncadd.s32 $0xFFFFFFFF  }
0xa7: {  	s26 =	simm.s32 $execute0_lowered;
	[smem:$0x3FD2] =	sst s25  }
0xa8: {  	s7 =	sshll.u32 s26, $0x1;
	_ =	strace $0x80000046;
	[dreg:$0x1] =	wrdreg $0xFFFFFFFF  }
0xa9: {  	s28 =	simm.s32 $_size_execute0_lowered;
	s5 =	sadd.s32 s5, s7;
	[dreg:$0x0] =	wrdreg $0x0  }
0xaa: {  	s7 =	sshll.u32 s28, $0x1;
	[dreg:$0x2] =	wrdreg s5  }
0xab: {  	[dreg:$0x3] =	wrdreg s7  }
0xac: {  	[dreg:$0x4] =	wrdreg $0xC0  }
0xad: {  	_ =	task [dreg:s9], $0x5FFFF  }
0xae: {  	[dreg:$0x1] =	wrdreg $0xFFFFFFFF  }
0xaf: {  	[dreg:$0x0] =	wrdreg $0x60  }
0xb0: {  	[dreg:$0x2] =	wrdreg s24  }
0xb1: {  	[dreg:$0x3] =	wrdreg s2  }
0xb2: {  	[dreg:$0x4] =	wrdreg s18  }
0xb3: {  	[dreg:$0x5] =	wrdreg s4  }
0xb4: {  	[dreg:$0x6] =	wrdreg $0x9  }
0xb5: {  	_ =	task.clear_ibuf [dreg:s9], $0x7FFFF;
	_ =	strace $0x90000046  }
0xb6: {  	s29 =	simm.s32 $0x9;
	_ =	strace $0x80000048  }
0xb7: {  	_ =	swait.ge [sflag:s29], $0x1  }
0xb8: {  	[sflag:s29] =	ssyncadd.s32 $0xFFFFFFFF  }
0xb9: {  	_ =	strace $0x90000048  }
0xba: {  	_ =	sfence  }
0xbb: {  	s30 =	sld [smem:$0x0];
	_ =	sdelay $0x2  }
0xbc: {  	s31 =	sshll.u32 s1, $0xD;
	s1 =	sshrl.u32 s1, $0x2  }
0xbd: {  	s3 =	sand.u32 $0x4000, s31;
	s1 =	sadd.s32 s1, s30  }
0xbe: {  	s0 =	sor.u32 s3, s0;
	s1 =	sshll.u32 s1, $0x11  }
0xbf: {  	s0 =	sor.u32 s1, s0  }
0xc0: {  	s0 =	sadd.s32 $0x8F2B, s0  }
0xc1: {  	[sflag:s0] =	ssyncadd.remote.s32 $0x1  }
0xc2: {  	_ =	sfence.sel $0xFFFF  }
0xc3: {  	[dreg:$0x0] =	wrdreg $0xFFFFFFFF;
	(pc) =	sbr.abs _section_cstart, $3  }
0xc4: {  	[dreg:$0x1] =	wrdreg $0xFFFFFFFF  }
0xc5: {  	_ =	task.clear_ibuf [dreg:s9], $0x2FFFF;
	_ =	strace $0x9FFFFFFF  }
0xc6: {  	(tm) =	ssettm $0x7FFFFFFF  }
0xc7: {  	_ =	shalt  }
tec
execute0_lowered:
.L_overlay_start_1:
0x0: {  	(tag) =	ssettag $0x1  }
0x1: {  	s0 =	rddreg [dreg:$0x0];
	s4 =	stileid.u32  }
0x2: {  	s1 =	rddreg [dreg:$0x1];
	s5 =	sshll.u32 s4, $0xA;
	s4 =	simm.s32 $0x0  }
0x3: {  	[smem:$0x7FF] =	sst s4  }
0x4: {  	s3 =	rddreg [dreg:$0x3];
	v0 =	vimm.f32 $2.000000000e+02;
	_ =	strace $0x80000047  }
0x5: {  	s2 =	srdreg.scid;
	s8 =	simm.s32 $0x9;
	(erf) = vrcp.f32 v0;
	v0 =	vimm.f32 $1.000000000e+04  }
0x6: {  	s10 =	simm.s32 $0x68;
	s12 =	simm.s32 $0x60;
	s14 =	simm.s32 $0x19548;
	(erf) = vrcp.f32 v0  }
0x7: {  	s15 =	simm.s32 $0x578;
	s16 =	simm.s32 $0x195B0;
	s17 =	simm.s32 $0x5E0  }
0x8: {  	s18 =	simm.s32 $0x19618;
	s19 =	simm.s32 $0x1;
	s20 =	simm.s32 $0x2  }
0x9: {  	s21 =	simm.s32 $0x3;
	s22 =	simm.s32 $0x4;
	s2 =	sand.u32 $0x1, s2  }
0xa: {  	s23 =	simm.s32 $0x5;
	s24 =	simm.s32 $0x6;
	s6 =	sshll.u32 s2, $0x9  }
0xb: {  	s25 =	simm.s32 $0x7;
	s26 =	simm.s32 $0x8;
	s5 =	sor.u32 s6, s5  }
0xc: {  	s28 =	simm.s32 $0x19680;
	s2 =	ssub.s32 $0x2, s2;
	s6 =	smul.u32 $0x19, s5  }
0xd: {  	s29 =	simm.s32 $0x1B680;
	s30 =	simm.s32 $0x0;
	s7 =	sshrl.u32 s2, $0x1  }
0xe: {  	v3 =	vlaneseq.u32;
	s2 =	ssub.s32 s2, s7;
	s31 =	sshrl.u32 s5, $0x3;
	s0 =	sadd.s32 s6, s0;
	v0 =	vpop (erf)  }
0xf: {  	v2 =	vimm.f32 $0.0e+00;
	v3 =	vmul.u32 $0x10, v3;
	s7 =	smax.u32 s2, $0x1;
	s6 =	sadd.s32 s3, s31;
	s5 =	sadd.s32 $0x400, s0;
	v1 =	vpop (erf)  }
.LBB2_1:
0x10: {  	[tilespmem:s4], [sflag:$0x9] =	stream.linear.gather [hbm4b:s5+s4], $0x19000, $0x38;
	[tilespmem:$0x1B890] =	vst v63  }
0x11: {  	_ =	swait.ge [sflag:s8], $0x19000  }
0x12: {  	[sflag:s8] =	ssyncset.done $0x0  }
0x13: {  	[sflag:s8] =	ssyncadd.s32 $0xFFFE7000  }
0x14: {  	s2 =	simm.s32 $0x1B880;
	s0 =	rddreg [dreg:$0x2]  }
0x15: {  	[tilespmem:s2], [sflag:$0x9] =	stream.linear.gather [hbm4b:s0+s4], $0x10, $0x38;
	[tilespmem:$0x1B890] =	vst v63  }
0x16: {  	_ =	swait.ge [sflag:s8], $0x10  }
0x17: {  	[sflag:s8] =	ssyncset.done $0x0  }
0x18: {  	[sflag:s8] =	ssyncadd.s32 $0xFFFFFFF0  }
0x19: {  	[tilespmem:$0x190C0] =	vst v2  }
0x1a: {  	[tilespmem:$0x19190] =	vst v2  }
0x1b: {  	[tilespmem:$0x19260] =	vst v2  }
0x1c: {  	[tilespmem:$0x19330] =	vst v2  }
0x1d: {  	[tilespmem:$0x19400] =	vst v2  }
0x1e: {  	[tilespmem:$0x194D0] =	vst v2  }
0x1f: {  	[tilespmem:$0x195A0] =	vst v2  }
0x20: {  	s3 =	simm.s32 $0x19000;
	[tilespmem:$0x19670] =	vst v2  }
0x21: {  	v4 =	vld [tilespmem:$0x1B880];
	[tilespmem:s3], [sflag:$0x1] =	stream.indirect.gather [hbm4b:s1+s10], $0x1, s4, s10, $0xb8  }
0x22: {  	s9 =	simm.s32 $0x19068  }
0x23: {  	[tilespmem:s9], [sflag:$0x1] =	stream.indirect.gather [hbm4b:s1+s12], $0x1, s10, s12, $0xb8;
	[tilespmem:$0x1B890] =	vst v63  }
0x24: {  	s11 =	simm.s32 $0xC8;
	s13 =	simm.s32 $0x190D0  }
0x25: {  	[tilespmem:s13], [sflag:$0x2] =	stream.indirect.gather [hbm4b:s1+s10], $0x1, s11, s10, $0xb8;
	[tilespmem:$0x1B890] =	vst v63  }
0x26: {  	s3 =	simm.s32 $0x130;
	s9 =	simm.s32 $0x19138  }
0x27: {  	[tilespmem:s9], [sflag:$0x2] =	stream.indirect.gather [hbm4b:s1+s12], $0x1, s3, s12, $0xb8;
	[tilespmem:$0x1B890] =	vst v63  }
0x28: {  	s11 =	simm.s32 $0x190;
	s13 =	simm.s32 $0x191A0  }
0x29: {  	[tilespmem:s13], [sflag:$0x3] =	stream.indirect.gather [hbm4b:s1+s10], $0x1, s11, s10, $0xb8;
	[tilespmem:$0x1B890] =	vst v63  }
0x2a: {  	s3 =	simm.s32 $0x1F8;
	s9 =	simm.s32 $0x19208  }
0x2b: {  	[tilespmem:s9], [sflag:$0x3] =	stream.indirect.gather [hbm4b:s1+s12], $0x1, s3, s12, $0xb8;
	[tilespmem:$0x1B890] =	vst v63  }
0x2c: {  	s11 =	simm.s32 $0x258;
	s13 =	simm.s32 $0x19270  }
0x2d: {  	[tilespmem:s13], [sflag:$0x4] =	stream.indirect.gather [hbm4b:s1+s10], $0x1, s11, s10, $0xb8;
	[tilespmem:$0x1B890] =	vst v63  }
0x2e: {  	s3 =	simm.s32 $0x2C0;
	s9 =	simm.s32 $0x192D8  }
0x2f: {  	[tilespmem:s9], [sflag:$0x4] =	stream.indirect.gather [hbm4b:s1+s12], $0x1, s3, s12, $0xb8;
	[tilespmem:$0x1B890] =	vst v63  }
0x30: {  	s11 =	simm.s32 $0x320;
	s13 =	simm.s32 $0x19340  }
0x31: {  	[tilespmem:s13], [sflag:$0x5] =	stream.indirect.gather [hbm4b:s1+s10], $0x1, s11, s10, $0xb8;
	[tilespmem:$0x1B890] =	vst v63  }
0x32: {  	s3 =	simm.s32 $0x388;
	s9 =	simm.s32 $0x193A8  }
0x33: {  	[tilespmem:s9], [sflag:$0x5] =	stream.indirect.gather [hbm4b:s1+s12], $0x1, s3, s12, $0xb8;
	[tilespmem:$0x1B890] =	vst v63  }
0x34: {  	s11 =	simm.s32 $0x3E8;
	s13 =	simm.s32 $0x19410  }
0x35: {  	[tilespmem:s13], [sflag:$0x6] =	stream.indirect.gather [hbm4b:s1+s10], $0x1, s11, s10, $0xb8;
	[tilespmem:$0x1B890] =	vst v63  }
0x36: {  	s2 =	simm.s32 $0x450;
	s3 =	simm.s32 $0x19478  }
0x37: {  	[tilespmem:s3], [sflag:$0x6] =	stream.indirect.gather [hbm4b:s1+s12], $0x1, s2, s12, $0xb8;
	[tilespmem:$0x1B890] =	vst v63  }
0x38: {  	s9 =	simm.s32 $0x4B0;
	s11 =	simm.s32 $0x194E0  }
0x39: {  	[tilespmem:s11], [sflag:$0x7] =	stream.indirect.gather [hbm4b:s1+s10], $0x1, s9, s10, $0xb8;
	[tilespmem:$0x1B890] =	vst v63  }
0x3a: {  	s13 =	simm.s32 $0x518  }
0x3b: {  	[tilespmem:s14], [sflag:$0x7] =	stream.indirect.gather [hbm4b:s1+s12], $0x1, s13, s12, $0xb8;
	[tilespmem:$0x1B890] =	vst v63  }
0x3c: {  	_ = 	snop  }
0x3d: {  	[tilespmem:s16], [sflag:$0x8] =	stream.indirect.gather [hbm4b:s1+s10], $0x1, s15, s10, $0xb8;
	[tilespmem:$0x1B890] =	vst v63  }
0x3e: {  	s31 =	simm.s32 $0x196C0;
	s2 =	simm.s32 $0x0  }
0x3f: {  	[tilespmem:s18], [sflag:$0x8] =	stream.indirect.gather [hbm4b:s1+s12], $0x1, s17, s12, $0xb8;
	[tilespmem:$0x1B890] =	vst v63  }
.LBB2_2:
0x40: {  	_ =	swait.ge [sflag:s19], $0xC8  }
0x41: {  	[sflag:s19] =	ssyncset.done $0x0  }
0x42: {  	[sflag:s19] =	ssyncadd.s32 $0xFFFFFF38  }
0x43: {  	v5 =	vld [tilespmem:$0x19000];
	_ =	sdelay $0x1  }
0x44: {  	v6 =	vld [tilespmem:$0x19010];
	_ =	sdelay $0x1  }
0x45: {  	v7 =	vld [tilespmem:$0x19020]  }
0x46: {  	v5 =	vadd.f32 $0.0e+00, v5  }
0x47: {  	v8 =	vld [tilespmem:$0x19030]  }
0x48: {  	v5 =	vadd.f32 v6, v5  }
0x49: {  	v6 =	vld [tilespmem:$0x19040]  }
0x4a: {  	v5 =	vadd.f32 v7, v5  }
0x4b: {  	v7 =	vld [tilespmem:$0x19050]  }
0x4c: {  	v5 =	vadd.f32 v8, v5  }
0x4d: {  	v33 =	vld [tilespmem:$0x19060]  }
0x4e: {  	v5 =	vadd.f32 v6, v5  }
0x4f: {  	v6 =	vld [tilespmem:$0x19070]  }
0x50: {  	v5 =	vadd.f32 v7, v5  }
0x51: {  	v7 =	vld [tilespmem:$0x19080]  }
0x52: {  	v5 =	vadd.f32 v33, v5  }
0x53: {  	v34 =	vld [tilespmem:$0x19090]  }
0x54: {  	v5 =	vadd.f32 v6, v5  }
0x55: {  	v6 =	vld [tilespmem:$0x190A0]  }
0x56: {  	v5 =	vadd.f32 v7, v5  }
0x57: {  	v7 =	vld [tilespmem:$0x190B0]  }
0x58: {  	v5 =	vadd.f32 v34, v5  }
0x59: {  	v35 =	vld [tilespmem:$0x190C0]  }
0x5a: {  	v5 =	vadd.f32 v6, v5;
	_ =	sdelay $0x1  }
0x5b: {  	v5 =	vadd.f32 v7, v5;
	_ =	sdelay $0x1  }
0x5c: {  	p0 =	seq.s32 s2, $0x62700;
	v5 =	vadd.f32 v35, v5  }
0x5d: {  	s0 =	sshra.s32 @!p0 s2, $0x2  }
0x5e: {  	s3 =	simm.s32 @!p0 $0x68;
	s11 =	simm.s32 @!p0 $0x19000;
	s9 =	sadd.s32 @!p0 $0x640, s0;
	[tilespmem:s31+$0xFFFFFFC0] =	vst v5  }
0x5f: {  	[tilespmem:s11], [sflag:$0x1] =	stream.indirect.gather @!p0 [hbm4b:s1+s3], $0x1, s9, s3, $0xb8;
	[tilespmem:$0x1B890] =	vst v63  }
0x60: {  	s13 =	simm.s32 @!p0 $0x19068;
	s11 =	sadd.s32 @!p0 $0x6A8, s0;
	s9 =	simm.s32 @!p0 $0x60  }
0x61: {  	[tilespmem:s13], [sflag:$0x1] =	stream.indirect.gather @!p0 [hbm4b:s1+s9], $0x1, s11, s9, $0xb8;
	[tilespmem:$0x1B890] =	vst v63  }
0x62: {  	_ =	swait.ge [sflag:s20], $0xC8  }
0x63: {  	[sflag:s20] =	ssyncset.done $0x0  }
0x64: {  	[sflag:s20] =	ssyncadd.s32 $0xFFFFFF38  }
0x65: {  	v5 =	vld [tilespmem:$0x190D0];
	_ =	sdelay $0x1  }
0x66: {  	v6 =	vld [tilespmem:$0x190E0];
	_ =	sdelay $0x1  }
0x67: {  	v7 =	vld [tilespmem:$0x190F0]  }
0x68: {  	v5 =	vadd.f32 $0.0e+00, v5  }
0x69: {  	v36 =	vld [tilespmem:$0x19100]  }
0x6a: {  	v5 =	vadd.f32 v6, v5  }
0x6b: {  	v6 =	vld [tilespmem:$0x19110]  }
0x6c: {  	v5 =	vadd.f32 v7, v5  }
0x6d: {  	v7 =	vld [tilespmem:$0x19120]  }
0x6e: {  	v5 =	vadd.f32 v36, v5  }
0x6f: {  	v37 =	vld [tilespmem:$0x19130]  }
0x70: {  	v5 =	vadd.f32 v6, v5  }
0x71: {  	v6 =	vld [tilespmem:$0x19140]  }
0x72: {  	v5 =	vadd.f32 v7, v5  }
0x73: {  	v7 =	vld [tilespmem:$0x19150]  }
0x74: {  	v5 =	vadd.f32 v37, v5  }
0x75: {  	v38 =	vld [tilespmem:$0x19160]  }
0x76: {  	v5 =	vadd.f32 v6, v5  }
0x77: {  	v6 =	vld [tilespmem:$0x19170]  }
0x78: {  	v5 =	vadd.f32 v7, v5  }
0x79: {  	v7 =	vld [tilespmem:$0x19180]  }
0x7a: {  	v5 =	vadd.f32 v38, v5  }
0x7b: {  	v39 =	vld [tilespmem:$0x19190]  }
0x7c: {  	v5 =	vadd.f32 v6, v5;
	_ =	sdelay $0x1  }
0x7d: {  	v5 =	vadd.f32 v7, v5;
	_ =	sdelay $0x1  }
0x7e: {  	v5 =	vadd.f32 v39, v5;
	_ =	sdelay $0x1  }
0x7f: {  	s11 =	sadd.s32 @!p0 $0x708, s0;
	s13 =	simm.s32 @!p0 $0x190D0;
	[tilespmem:s31+$0xFFFFFFD0] =	vst v5  }
0x80: {  	[tilespmem:s13], [sflag:$0x2] =	stream.indirect.gather @!p0 [hbm4b:s1+s3], $0x1, s11, s3, $0xb8;
	[tilespmem:$0x1B890] =	vst v63  }
0x81: {  	s11 =	sadd.s32 @!p0 $0x770, s0;
	s13 =	simm.s32 @!p0 $0x19138  }
0x82: {  	[tilespmem:s13], [sflag:$0x2] =	stream.indirect.gather @!p0 [hbm4b:s1+s9], $0x1, s11, s9, $0xb8;
	[tilespmem:$0x1B890] =	vst v63  }
0x83: {  	_ =	swait.ge [sflag:s21], $0xC8  }
0x84: {  	[sflag:s21] =	ssyncset.done $0x0  }
0x85: {  	[sflag:s21] =	ssyncadd.s32 $0xFFFFFF38  }
0x86: {  	v5 =	vld [tilespmem:$0x191A0];
	_ =	sdelay $0x1  }
0x87: {  	v6 =	vld [tilespmem:$0x191B0];
	_ =	sdelay $0x1  }
0x88: {  	v7 =	vld [tilespmem:$0x191C0]  }
0x89: {  	v5 =	vadd.f32 $0.0e+00, v5  }
0x8a: {  	v40 =	vld [tilespmem:$0x191D0]  }
0x8b: {  	v5 =	vadd.f32 v6, v5  }
0x8c: {  	v6 =	vld [tilespmem:$0x191E0]  }
0x8d: {  	v5 =	vadd.f32 v7, v5  }
0x8e: {  	v7 =	vld [tilespmem:$0x191F0]  }
0x8f: {  	v5 =	vadd.f32 v40, v5  }
0x90: {  	v41 =	vld [tilespmem:$0x19200]  }
0x91: {  	v5 =	vadd.f32 v6, v5  }
0x92: {  	v6 =	vld [tilespmem:$0x19210]  }
0x93: {  	v5 =	vadd.f32 v7, v5  }
0x94: {  	v7 =	vld [tilespmem:$0x19220]  }
0x95: {  	v5 =	vadd.f32 v41, v5  }
0x96: {  	v42 =	vld [tilespmem:$0x19230]  }
0x97: {  	v5 =	vadd.f32 v6, v5  }
0x98: {  	v6 =	vld [tilespmem:$0x19240]  }
0x99: {  	v5 =	vadd.f32 v7, v5  }
0x9a: {  	v7 =	vld [tilespmem:$0x19250]  }
0x9b: {  	v5 =	vadd.f32 v42, v5  }
0x9c: {  	v43 =	vld [tilespmem:$0x19260]  }
0x9d: {  	v5 =	vadd.f32 v6, v5;
	_ =	sdelay $0x1  }
0x9e: {  	v5 =	vadd.f32 v7, v5;
	_ =	sdelay $0x1  }
0x9f: {  	v5 =	vadd.f32 v43, v5;
	_ =	sdelay $0x1  }
0xa0: {  	s11 =	sadd.s32 @!p0 $0x7D0, s0;
	s13 =	simm.s32 @!p0 $0x191A0;
	[tilespmem:s31+$0xFFFFFFE0] =	vst v5  }
0xa1: {  	[tilespmem:s13], [sflag:$0x3] =	stream.indirect.gather @!p0 [hbm4b:s1+s3], $0x1, s11, s3, $0xb8;
	[tilespmem:$0x1B890] =	vst v63  }
0xa2: {  	s11 =	sadd.s32 @!p0 $0x838, s0;
	s13 =	simm.s32 @!p0 $0x19208  }
0xa3: {  	[tilespmem:s13], [sflag:$0x3] =	stream.indirect.gather @!p0 [hbm4b:s1+s9], $0x1, s11, s9, $0xb8;
	[tilespmem:$0x1B890] =	vst v63  }
0xa4: {  	_ =	swait.ge [sflag:s22], $0xC8  }
0xa5: {  	[sflag:s22] =	ssyncset.done $0x0  }
0xa6: {  	[sflag:s22] =	ssyncadd.s32 $0xFFFFFF38  }
0xa7: {  	v5 =	vld [tilespmem:$0x19270];
	_ =	sdelay $0x1  }
0xa8: {  	v6 =	vld [tilespmem:$0x19280];
	_ =	sdelay $0x1  }
0xa9: {  	v7 =	vld [tilespmem:$0x19290]  }
0xaa: {  	v5 =	vadd.f32 $0.0e+00, v5  }
0xab: {  	v44 =	vld [tilespmem:$0x192A0]  }
0xac: {  	v5 =	vadd.f32 v6, v5  }
0xad: {  	v6 =	vld [tilespmem:$0x192B0]  }
0xae: {  	v5 =	vadd.f32 v7, v5  }
0xaf: {  	v7 =	vld [tilespmem:$0x192C0]  }
0xb0: {  	v5 =	vadd.f32 v44, v5  }
0xb1: {  	v45 =	vld [tilespmem:$0x192D0]  }
0xb2: {  	v5 =	vadd.f32 v6, v5  }
0xb3: {  	v6 =	vld [tilespmem:$0x192E0]  }
0xb4: {  	v5 =	vadd.f32 v7, v5  }
0xb5: {  	v7 =	vld [tilespmem:$0x192F0]  }
0xb6: {  	v5 =	vadd.f32 v45, v5  }
0xb7: {  	v46 =	vld [tilespmem:$0x19300]  }
0xb8: {  	v5 =	vadd.f32 v6, v5  }
0xb9: {  	v6 =	vld [tilespmem:$0x19310]  }
0xba: {  	v5 =	vadd.f32 v7, v5  }
0xbb: {  	v7 =	vld [tilespmem:$0x19320]  }
0xbc: {  	v5 =	vadd.f32 v46, v5  }
0xbd: {  	v47 =	vld [tilespmem:$0x19330]  }
0xbe: {  	v5 =	vadd.f32 v6, v5;
	_ =	sdelay $0x1  }
0xbf: {  	v5 =	vadd.f32 v7, v5;
	_ =	sdelay $0x1  }
0xc0: {  	v5 =	vadd.f32 v47, v5;
	_ =	sdelay $0x1  }
0xc1: {  	s11 =	sadd.s32 @!p0 $0x898, s0;
	s13 =	simm.s32 @!p0 $0x19270;
	[tilespmem:s31+$0xFFFFFFF0] =	vst v5  }
0xc2: {  	[tilespmem:s13], [sflag:$0x4] =	stream.indirect.gather @!p0 [hbm4b:s1+s3], $0x1, s11, s3, $0xb8;
	[tilespmem:$0x1B890] =	vst v63  }
0xc3: {  	s11 =	sadd.s32 @!p0 $0x900, s0;
	s13 =	simm.s32 @!p0 $0x192D8  }
0xc4: {  	[tilespmem:s13], [sflag:$0x4] =	stream.indirect.gather @!p0 [hbm4b:s1+s9], $0x1, s11, s9, $0xb8;
	[tilespmem:$0x1B890] =	vst v63  }
0xc5: {  	_ =	swait.ge [sflag:s23], $0xC8  }
0xc6: {  	[sflag:s23] =	ssyncset.done $0x0  }
0xc7: {  	[sflag:s23] =	ssyncadd.s32 $0xFFFFFF38  }
0xc8: {  	v5 =	vld [tilespmem:$0x19340];
	_ =	sdelay $0x1  }
0xc9: {  	v6 =	vld [tilespmem:$0x19350];
	_ =	sdelay $0x1  }
0xca: {  	v7 =	vld [tilespmem:$0x19360]  }
0xcb: {  	v5 =	vadd.f32 $0.0e+00, v5  }
0xcc: {  	v48 =	vld [tilespmem:$0x19370]  }
0xcd: {  	v5 =	vadd.f32 v6, v5  }
0xce: {  	v6 =	vld [tilespmem:$0x19380]  }
0xcf: {  	v5 =	vadd.f32 v7, v5  }
0xd0: {  	v7 =	vld [tilespmem:$0x19390]  }
0xd1: {  	v5 =	vadd.f32 v48, v5  }
0xd2: {  	v49 =	vld [tilespmem:$0x193A0]  }
0xd3: {  	v5 =	vadd.f32 v6, v5  }
0xd4: {  	v6 =	vld [tilespmem:$0x193B0]  }
0xd5: {  	v5 =	vadd.f32 v7, v5  }
0xd6: {  	v7 =	vld [tilespmem:$0x193C0]  }
0xd7: {  	v5 =	vadd.f32 v49, v5  }
0xd8: {  	v50 =	vld [tilespmem:$0x193D0]  }
0xd9: {  	v5 =	vadd.f32 v6, v5  }
0xda: {  	v6 =	vld [tilespmem:$0x193E0]  }
0xdb: {  	v5 =	vadd.f32 v7, v5  }
0xdc: {  	v7 =	vld [tilespmem:$0x193F0]  }
0xdd: {  	v5 =	vadd.f32 v50, v5  }
0xde: {  	v51 =	vld [tilespmem:$0x19400]  }
0xdf: {  	v5 =	vadd.f32 v6, v5;
	_ =	sdelay $0x1  }
0xe0: {  	v5 =	vadd.f32 v7, v5;
	_ =	sdelay $0x1  }
0xe1: {  	v5 =	vadd.f32 v51, v5;
	_ =	sdelay $0x1  }
0xe2: {  	s11 =	sadd.s32 @!p0 $0x960, s0;
	s13 =	simm.s32 @!p0 $0x19340;
	[tilespmem:s31+$0x0] =	vst v5  }
0xe3: {  	[tilespmem:s13], [sflag:$0x5] =	stream.indirect.gather @!p0 [hbm4b:s1+s3], $0x1, s11, s3, $0xb8;
	[tilespmem:$0x1B890] =	vst v63  }
0xe4: {  	s11 =	sadd.s32 @!p0 $0x9C8, s0;
	s13 =	simm.s32 @!p0 $0x193A8  }
0xe5: {  	[tilespmem:s13], [sflag:$0x5] =	stream.indirect.gather @!p0 [hbm4b:s1+s9], $0x1, s11, s9, $0xb8;
	[tilespmem:$0x1B890] =	vst v63  }
0xe6: {  	_ =	swait.ge [sflag:s24], $0xC8  }
0xe7: {  	[sflag:s24] =	ssyncset.done $0x0  }
0xe8: {  	[sflag:s24] =	ssyncadd.s32 $0xFFFFFF38  }
0xe9: {  	v5 =	vld [tilespmem:$0x19410];
	_ =	sdelay $0x1  }
0xea: {  	v6 =	vld [tilespmem:$0x19420];
	_ =	sdelay $0x1  }
0xeb: {  	v7 =	vld [tilespmem:$0x19430]  }
0xec: {  	v5 =	vadd.f32 $0.0e+00, v5  }
0xed: {  	v52 =	vld [tilespmem:$0x19440]  }
0xee: {  	v5 =	vadd.f32 v6, v5  }
0xef: {  	v6 =	vld [tilespmem:$0x19450]  }
0xf0: {  	v5 =	vadd.f32 v7, v5  }
0xf1: {  	v7 =	vld [tilespmem:$0x19460]  }
0xf2: {  	v5 =	vadd.f32 v52, v5  }
0xf3: {  	v53 =	vld [tilespmem:$0x19470]  }
0xf4: {  	v5 =	vadd.f32 v6, v5  }
0xf5: {  	v6 =	vld [tilespmem:$0x19480]  }
0xf6: {  	v5 =	vadd.f32 v7, v5  }
0xf7: {  	v7 =	vld [tilespmem:$0x19490]  }
0xf8: {  	v5 =	vadd.f32 v53, v5  }
0xf9: {  	v54 =	vld [tilespmem:$0x194A0]  }
0xfa: {  	v5 =	vadd.f32 v6, v5  }
0xfb: {  	v6 =	vld [tilespmem:$0x194B0]  }
0xfc: {  	v5 =	vadd.f32 v7, v5  }
0xfd: {  	v7 =	vld [tilespmem:$0x194C0]  }
0xfe: {  	v5 =	vadd.f32 v54, v5  }
0xff: {  	v55 =	vld [tilespmem:$0x194D0]  }
0x100: {  	v5 =	vadd.f32 v6, v5;
	_ =	sdelay $0x1  }
0x101: {  	v5 =	vadd.f32 v7, v5;
	_ =	sdelay $0x1  }
0x102: {  	v5 =	vadd.f32 v55, v5;
	_ =	sdelay $0x1  }
0x103: {  	s11 =	sadd.s32 @!p0 $0xA28, s0;
	s13 =	simm.s32 @!p0 $0x19410;
	[tilespmem:s31+$0x10] =	vst v5  }
0x104: {  	[tilespmem:s13], [sflag:$0x6] =	stream.indirect.gather @!p0 [hbm4b:s1+s3], $0x1, s11, s3, $0xb8;
	[tilespmem:$0x1B890] =	vst v63  }
0x105: {  	s11 =	sadd.s32 @!p0 $0xA90, s0;
	s13 =	simm.s32 @!p0 $0x19478  }
0x106: {  	[tilespmem:s13], [sflag:$0x6] =	stream.indirect.gather @!p0 [hbm4b:s1+s9], $0x1, s11, s9, $0xb8;
	[tilespmem:$0x1B890] =	vst v63  }
0x107: {  	_ =	swait.ge [sflag:s25], $0xC8  }
0x108: {  	[sflag:s25] =	ssyncset.done $0x0  }
0x109: {  	[sflag:s25] =	ssyncadd.s32 $0xFFFFFF38  }
0x10a: {  	v5 =	vld [tilespmem:$0x194E0];
	_ =	sdelay $0x1  }
0x10b: {  	v6 =	vld [tilespmem:$0x194F0];
	_ =	sdelay $0x1  }
0x10c: {  	v7 =	vld [tilespmem:$0x19500]  }
0x10d: {  	v5 =	vadd.f32 $0.0e+00, v5  }
0x10e: {  	v56 =	vld [tilespmem:$0x19510]  }
0x10f: {  	v5 =	vadd.f32 v6, v5  }
0x110: {  	v6 =	vld [tilespmem:$0x19520]  }
0x111: {  	v5 =	vadd.f32 v7, v5  }
0x112: {  	v7 =	vld [tilespmem:$0x19530]  }
0x113: {  	v5 =	vadd.f32 v56, v5  }
0x114: {  	v57 =	vld [tilespmem:$0x19540]  }
0x115: {  	v5 =	vadd.f32 v6, v5  }
0x116: {  	v6 =	vld [tilespmem:$0x19550]  }
0x117: {  	v5 =	vadd.f32 v7, v5  }
0x118: {  	v7 =	vld [tilespmem:$0x19560]  }
0x119: {  	v5 =	vadd.f32 v57, v5  }
0x11a: {  	v58 =	vld [tilespmem:$0x19570]  }
0x11b: {  	v5 =	vadd.f32 v6, v5  }
0x11c: {  	v6 =	vld [tilespmem:$0x19580]  }
0x11d: {  	v5 =	vadd.f32 v7, v5  }
0x11e: {  	v7 =	vld [tilespmem:$0x19590]  }
0x11f: {  	v5 =	vadd.f32 v58, v5  }
0x120: {  	v59 =	vld [tilespmem:$0x195A0]  }
0x121: {  	v5 =	vadd.f32 v6, v5;
	_ =	sdelay $0x1  }
0x122: {  	v5 =	vadd.f32 v7, v5;
	_ =	sdelay $0x1  }
0x123: {  	v5 =	vadd.f32 v59, v5;
	_ =	sdelay $0x1  }
0x124: {  	s11 =	sadd.s32 @!p0 $0xAF0, s0;
	s13 =	simm.s32 @!p0 $0x194E0;
	[tilespmem:s31+$0x20] =	vst v5  }
0x125: {  	[tilespmem:s13], [sflag:$0x7] =	stream.indirect.gather @!p0 [hbm4b:s1+s3], $0x1, s11, s3, $0xb8;
	[tilespmem:$0x1B890] =	vst v63  }
0x126: {  	s0 =	sadd.s32 @!p0 $0xB58, s0;
	s3 =	simm.s32 @!p0 $0x19548  }
0x127: {  	[tilespmem:s3], [sflag:$0x7] =	stream.indirect.gather @!p0 [hbm4b:s1+s9], $0x1, s0, s9, $0xb8;
	[tilespmem:$0x1B890] =	vst v63  }
0x128: {  	_ =	swait.ge [sflag:s26], $0xC8  }
0x129: {  	[sflag:s26] =	ssyncset.done $0x0  }
0x12a: {  	[sflag:s26] =	ssyncadd.s32 $0xFFFFFF38  }
0x12b: {  	v5 =	vld [tilespmem:$0x195B0];
	_ =	sdelay $0x1  }
0x12c: {  	v6 =	vld [tilespmem:$0x195C0];
	_ =	sdelay $0x1  }
0x12d: {  	v7 =	vld [tilespmem:$0x195D0]  }
0x12e: {  	v5 =	vadd.f32 $0.0e+00, v5  }
0x12f: {  	v60 =	vld [tilespmem:$0x195E0]  }
0x130: {  	v5 =	vadd.f32 v6, v5  }
0x131: {  	v6 =	vld [tilespmem:$0x195F0]  }
0x132: {  	v5 =	vadd.f32 v7, v5  }
0x133: {  	v7 =	vld [tilespmem:$0x19600]  }
0x134: {  	v5 =	vadd.f32 v60, v5  }
0x135: {  	v61 =	vld [tilespmem:$0x19610]  }
0x136: {  	v5 =	vadd.f32 v6, v5  }
0x137: {  	v6 =	vld [tilespmem:$0x19620]  }
0x138: {  	v5 =	vadd.f32 v7, v5  }
0x139: {  	v7 =	vld [tilespmem:$0x19630]  }
0x13a: {  	v5 =	vadd.f32 v61, v5  }
0x13b: {  	v62 =	vld [tilespmem:$0x19640]  }
0x13c: {  	v5 =	vadd.f32 v6, v5  }
0x13d: {  	v6 =	vld [tilespmem:$0x19650]  }
0x13e: {  	v5 =	vadd.f32 v7, v5  }
0x13f: {  	v7 =	vld [tilespmem:$0x19660]  }
0x140: {  	v5 =	vadd.f32 v62, v5  }
0x141: {  	v63 =	vld [tilespmem:$0x19670]  }
0x142: {  	v5 =	vadd.f32 v6, v5;
	_ =	sdelay $0x1  }
.Ltmp0:
0x143: {  	v5 =	vadd.f32 v7, v5;
	(pc) =	sbr.rel @p0 .LBB2_3-.Ltmp0, $3  }
0x144: {  	_ = 	snop  }
0x145: {  	v5 =	vadd.f32 v63, v5;
	_ =	sdelay $0x1  }
0x146: {  	[tilespmem:s31+$0x30] =	vst v5  }
.Ltmp1:
0x147: {  	s0 =	sshra.s32 s2, $0x2;
	(pc) =	sbr.rel .LBB2_2-.Ltmp1, $4  }
0x148: {  	s3 =	sadd.s32 $0xBB8, s0  }
0x149: {  	[tilespmem:s16], [sflag:$0x8] =	stream.indirect.gather [hbm4b:s1+s10], $0x1, s3, s10, $0xb8;
	[tilespmem:$0x1B890] =	vst v63  }
0x14a: {  	s2 =	sadd.s32 $0x1900, s2;
	s31 =	sadd.s32 $0x80, s31;
	s0 =	sadd.s32 $0xC20, s0  }
0x14b: {  	[tilespmem:s18], [sflag:$0x8] =	stream.indirect.gather [hbm4b:s1+s12], $0x1, s0, s12, $0xb8;
	[tilespmem:$0x1B890] =	vst v63  }
.LBB2_3:
0x14c: {  	s0 =	simm.s32 $0x0  }
0x14d: {  	v5 =	vmov s0  }
0x14e: {  	v5 =	vshll.u32 v5, $0x4  }
0x14f: {  	v5 =	vor.u32 v3, v5;
	_ =	sdelay $0x1  }
0x150: {  	v6 =	vor.u32 $0x1, v5;
	_ =	sdelay $0x1  }
0x151: {  	v7 =	vor.u32 $0x2, v5  }
0x152: {  	v8 =	vld.idx.msk [tilespmem:v5+s28+$0x0], $0xffff  }
0x153: {  	v9 =	vor.u32 $0x3, v5  }
0x154: {  	v6 =	vld.idx.msk [tilespmem:v6+s28+$0x0], $0xffff  }
0x155: {  	v10 =	vor.u32 $0x4, v5  }
0x156: {  	v7 =	vld.idx.msk [tilespmem:v7+s28+$0x0], $0xffff  }
0x157: {  	v11 =	vor.u32 $0x5, v5;
	v8 =	vadd.f32 $0.0e+00, v8  }
0x158: {  	v9 =	vld.idx.msk [tilespmem:v9+s28+$0x0], $0xffff  }
0x159: {  	v12 =	vor.u32 $0x6, v5;
	v6 =	vadd.f32 v6, v8  }
0x15a: {  	v8 =	vld.idx.msk [tilespmem:v10+s28+$0x0], $0xffff  }
0x15b: {  	v38 =	vor.u32 $0x7, v5;
	v6 =	vadd.f32 v7, v6  }
0x15c: {  	v7 =	vld.idx.msk [tilespmem:v11+s28+$0x0], $0xffff  }
0x15d: {  	v39 =	vor.u32 $0x8, v5;
	v6 =	vadd.f32 v9, v6  }
0x15e: {  	v40 =	vld.idx.msk [tilespmem:v12+s28+$0x0], $0xffff  }
0x15f: {  	v41 =	vor.u32 $0x9, v5;
	v6 =	vadd.f32 v8, v6  }
0x160: {  	v8 =	vld.idx.msk [tilespmem:v38+s28+$0x0], $0xffff  }
0x161: {  	v42 =	vor.u32 $0xA, v5;
	v6 =	vadd.f32 v7, v6  }
0x162: {  	v7 =	vld.idx.msk [tilespmem:v39+s28+$0x0], $0xffff  }
0x163: {  	v43 =	vor.u32 $0xB, v5;
	v6 =	vadd.f32 v40, v6  }
0x164: {  	v44 =	vld.idx.msk [tilespmem:v41+s28+$0x0], $0xffff  }
0x165: {  	v45 =	vor.u32 $0xC, v5;
	v6 =	vadd.f32 v8, v6  }
0x166: {  	v8 =	vld.idx.msk [tilespmem:v42+s28+$0x0], $0xffff  }
0x167: {  	v46 =	vor.u32 $0xD, v5;
	v6 =	vadd.f32 v7, v6  }
0x168: {  	v7 =	vld.idx.msk [tilespmem:v43+s28+$0x0], $0xffff  }
0x169: {  	v47 =	vor.u32 $0xE, v5;
	v6 =	vadd.f32 v44, v6  }
0x16a: {  	v48 =	vld.idx.msk [tilespmem:v45+s28+$0x0], $0xffff  }
0x16b: {  	v5 =	vor.u32 $0xF, v5;
	v6 =	vadd.f32 v8, v6  }
0x16c: {  	v8 =	vld.idx.msk [tilespmem:v46+s28+$0x0], $0xffff  }
0x16d: {  	v6 =	vadd.f32 v7, v6  }
0x16e: {  	v7 =	vld.idx.msk [tilespmem:v47+s28+$0x0], $0xffff  }
0x16f: {  	v6 =	vadd.f32 v48, v6  }
0x170: {  	v5 =	vld.idx.msk [tilespmem:v5+s28+$0x0], $0xffff  }
0x171: {  	v6 =	vadd.f32 v8, v6;
	_ =	sdelay $0x1  }
0x172: {  	v6 =	vadd.f32 v7, v6;
	_ =	sdelay $0x1  }
0x173: {  	v5 =	vadd.f32 v5, v6;
	_ =	sdelay $0x1  }
0x174: {  	v5 =	vmul.f32 v5, v0;
	_ =	sdelay $0x1  }
0x175: {  	v5 =	vadd.f32 v5, v4;
	_ =	sdelay $0x1  }
0x176: {  	v5 =	vsub.f32 $0.0e+00, v5;
	_ =	sdelay $0x1  }
0x177: {  	v5 =	vmul.f32 $1.442695020e+00, v5;
	_ =	sdelay $0x1  }
0x178: {  	(erf) = vpow2.f32 v5;
	_ =	sdelay $0x8  }
0x179: {  	v5 =	vpop (erf)  }
0x17a: {  	v5 =	vadd.f32 $1.000000000e+00, v5;
	_ =	sdelay $0x1  }
0x17b: {  	(erf) = vrcp.f32 v5;
	_ =	sdelay $0x8  }
0x17c: {  	v5 =	vpop (erf)  }
0x17d: {  	v5 =	vmul.f32 $1.000000000e+04, v5  }
0x17e: {  	s13 =	simm.s32 $0x10  }
0x17f: {  	v6 =	vmov s13;
	v5 =	vadd.f32 $8.388608000e+06, v5  }
0x180: {  	v6 =	vshll.u32 v6, $0x4  }
0x181: {  	v6 =	vor.u32 v3, v6;
	v5 =	vadd.f32 $-8.388608000e+06, v5;
	_ =	sdelay $0x1  }
0x182: {  	v7 =	vor.u32 $0x1, v6;
	v5 =	vmul.f32 v5, v1  }
0x183: {  	s2 =	simm.s32 $0x1B680  }
0x184: {  	v8 =	vor.u32 $0x2, v6;
	[tilespmem:s2+$0x0] =	vst v5  }
0x185: {  	v5 =	vld.idx.msk [tilespmem:v6+s28+$0x0], $0xffff  }
0x186: {  	v49 =	vor.u32 $0x3, v6  }
0x187: {  	v7 =	vld.idx.msk [tilespmem:v7+s28+$0x0], $0xffff  }
0x188: {  	v50 =	vor.u32 $0x4, v6  }
0x189: {  	v8 =	vld.idx.msk [tilespmem:v8+s28+$0x0], $0xffff  }
0x18a: {  	v51 =	vor.u32 $0x5, v6;
	v5 =	vadd.f32 $0.0e+00, v5  }
0x18b: {  	v9 =	vld.idx.msk [tilespmem:v49+s28+$0x0], $0xffff  }
0x18c: {  	v52 =	vor.u32 $0x6, v6;
	v5 =	vadd.f32 v7, v5  }
0x18d: {  	v7 =	vld.idx.msk [tilespmem:v50+s28+$0x0], $0xffff  }
0x18e: {  	v53 =	vor.u32 $0x7, v6;
	v5 =	vadd.f32 v8, v5  }
0x18f: {  	v8 =	vld.idx.msk [tilespmem:v51+s28+$0x0], $0xffff  }
0x190: {  	v54 =	vor.u32 $0x8, v6;
	v5 =	vadd.f32 v9, v5  }
0x191: {  	v55 =	vld.idx.msk [tilespmem:v52+s28+$0x0], $0xffff  }
0x192: {  	v56 =	vor.u32 $0x9, v6;
	v5 =	vadd.f32 v7, v5  }
0x193: {  	v7 =	vld.idx.msk [tilespmem:v53+s28+$0x0], $0xffff  }
0x194: {  	v57 =	vor.u32 $0xA, v6;
	v5 =	vadd.f32 v8, v5  }
0x195: {  	v8 =	vld.idx.msk [tilespmem:v54+s28+$0x0], $0xffff  }
0x196: {  	v58 =	vor.u32 $0xB, v6;
	v5 =	vadd.f32 v55, v5  }
0x197: {  	v59 =	vld.idx.msk [tilespmem:v56+s28+$0x0], $0xffff  }
0x198: {  	v60 =	vor.u32 $0xC, v6;
	v5 =	vadd.f32 v7, v5  }
0x199: {  	v7 =	vld.idx.msk [tilespmem:v57+s28+$0x0], $0xffff  }
0x19a: {  	v61 =	vor.u32 $0xD, v6;
	v5 =	vadd.f32 v8, v5  }
0x19b: {  	v8 =	vld.idx.msk [tilespmem:v58+s28+$0x0], $0xffff  }
0x19c: {  	v62 =	vor.u32 $0xE, v6;
	v5 =	vadd.f32 v59, v5  }
0x19d: {  	v63 =	vld.idx.msk [tilespmem:v60+s28+$0x0], $0xffff  }
0x19e: {  	v6 =	vor.u32 $0xF, v6;
	v5 =	vadd.f32 v7, v5  }
0x19f: {  	v7 =	vld.idx.msk [tilespmem:v61+s28+$0x0], $0xffff  }
0x1a0: {  	v5 =	vadd.f32 v8, v5  }
0x1a1: {  	v8 =	vld.idx.msk [tilespmem:v62+s28+$0x0], $0xffff  }
0x1a2: {  	v5 =	vadd.f32 v63, v5  }
0x1a3: {  	v6 =	vld.idx.msk [tilespmem:v6+s28+$0x0], $0xffff  }
0x1a4: {  	v5 =	vadd.f32 v7, v5;
	_ =	sdelay $0x1  }
0x1a5: {  	v5 =	vadd.f32 v8, v5;
	_ =	sdelay $0x1  }
0x1a6: {  	v5 =	vadd.f32 v6, v5;
	_ =	sdelay $0x1  }
0x1a7: {  	v5 =	vmul.f32 v5, v0;
	_ =	sdelay $0x1  }
0x1a8: {  	v5 =	vadd.f32 v5, v4;
	_ =	sdelay $0x1  }
0x1a9: {  	v5 =	vsub.f32 $0.0e+00, v5;
	_ =	sdelay $0x1  }
0x1aa: {  	v5 =	vmul.f32 $1.442695020e+00, v5;
	_ =	sdelay $0x1  }
0x1ab: {  	(erf) = vpow2.f32 v5;
	_ =	sdelay $0x8  }
0x1ac: {  	v5 =	vpop (erf)  }
0x1ad: {  	v5 =	vadd.f32 $1.000000000e+00, v5;
	_ =	sdelay $0x1  }
0x1ae: {  	(erf) = vrcp.f32 v5;
	_ =	sdelay $0x8  }
0x1af: {  	v5 =	vpop (erf)  }
0x1b0: {  	v5 =	vmul.f32 $1.000000000e+04, v5  }
0x1b1: {  	s31 =	simm.s32 $0x20  }
0x1b2: {  	s0 =	simm.s32 $0x30;
	v6 =	vmov s31;
	v5 =	vadd.f32 $8.388608000e+06, v5  }
.LBB2_4:
0x1b3: {  	p0 =	sne.s32 s0, $0x1F0;
	v6 =	vshll.u32 v6, $0x4  }
0x1b4: {  	v6 =	vor.u32 v3, v6;
	v5 =	vadd.f32 $-8.388608000e+06, v5;
	_ =	sdelay $0x1  }
0x1b5: {  	v7 =	vor.u32 $0x1, v6;
	v5 =	vmul.f32 v5, v1  }
0x1b6: {  	s2 =	sadd.s32 $0x10, s2  }
0x1b7: {  	v8 =	vor.u32 $0x2, v6;
	[tilespmem:s2+$0x0] =	vst v5  }
0x1b8: {  	v5 =	vld.idx.msk [tilespmem:v6+s28+$0x0], $0xffff  }
0x1b9: {  	v9 =	vor.u32 $0x3, v6  }
0x1ba: {  	v7 =	vld.idx.msk [tilespmem:v7+s28+$0x0], $0xffff  }
0x1bb: {  	v10 =	vor.u32 $0x4, v6  }
0x1bc: {  	v8 =	vld.idx.msk [tilespmem:v8+s28+$0x0], $0xffff  }
0x1bd: {  	v11 =	vor.u32 $0x5, v6  }
0x1be: {  	v5 =	vadd.f32 $0.0e+00, v5;
	v9 =	vld.idx.msk [tilespmem:v9+s28+$0x0], $0xffff  }
0x1bf: {  	v12 =	vor.u32 $0x6, v6  }
0x1c0: {  	v5 =	vadd.f32 v7, v5;
	v7 =	vld.idx.msk [tilespmem:v10+s28+$0x0], $0xffff  }
0x1c1: {  	v10 =	vor.u32 $0x7, v6  }
0x1c2: {  	v5 =	vadd.f32 v8, v5;
	v8 =	vld.idx.msk [tilespmem:v11+s28+$0x0], $0xffff  }
0x1c3: {  	v11 =	vor.u32 $0x8, v6  }
0x1c4: {  	v5 =	vadd.f32 v9, v5;
	v9 =	vld.idx.msk [tilespmem:v12+s28+$0x0], $0xffff  }
0x1c5: {  	v12 =	vor.u32 $0x9, v6  }
0x1c6: {  	v5 =	vadd.f32 v7, v5;
	v7 =	vld.idx.msk [tilespmem:v10+s28+$0x0], $0xffff  }
0x1c7: {  	v10 =	vor.u32 $0xA, v6  }
0x1c8: {  	v5 =	vadd.f32 v8, v5;
	v8 =	vld.idx.msk [tilespmem:v11+s28+$0x0], $0xffff  }
0x1c9: {  	v11 =	vor.u32 $0xB, v6  }
0x1ca: {  	v5 =	vadd.f32 v9, v5;
	v9 =	vld.idx.msk [tilespmem:v12+s28+$0x0], $0xffff  }
0x1cb: {  	v12 =	vor.u32 $0xC, v6  }
0x1cc: {  	v5 =	vadd.f32 v7, v5;
	v7 =	vld.idx.msk [tilespmem:v10+s28+$0x0], $0xffff  }
0x1cd: {  	v10 =	vor.u32 $0xD, v6  }
0x1ce: {  	v5 =	vadd.f32 v8, v5;
	v8 =	vld.idx.msk [tilespmem:v11+s28+$0x0], $0xffff  }
0x1cf: {  	v11 =	vor.u32 $0xE, v6  }
0x1d0: {  	v5 =	vadd.f32 v9, v5;
	v9 =	vld.idx.msk [tilespmem:v12+s28+$0x0], $0xffff  }
0x1d1: {  	v6 =	vor.u32 $0xF, v6  }
0x1d2: {  	v5 =	vadd.f32 v7, v5;
	v7 =	vld.idx.msk [tilespmem:v10+s28+$0x0], $0xffff;
	_ =	sdelay $0x1  }
0x1d3: {  	v5 =	vadd.f32 v8, v5;
	v8 =	vld.idx.msk [tilespmem:v11+s28+$0x0], $0xffff;
	_ =	sdelay $0x1  }
0x1d4: {  	v5 =	vadd.f32 v9, v5;
	v6 =	vld.idx.msk [tilespmem:v6+s28+$0x0], $0xffff;
	_ =	sdelay $0x1  }
0x1d5: {  	v5 =	vadd.f32 v7, v5;
	_ =	sdelay $0x1  }
0x1d6: {  	v5 =	vadd.f32 v8, v5;
	_ =	sdelay $0x1  }
0x1d7: {  	v5 =	vadd.f32 v6, v5;
	_ =	sdelay $0x1  }
0x1d8: {  	v5 =	vmul.f32 v5, v0;
	_ =	sdelay $0x1  }
0x1d9: {  	v5 =	vadd.f32 v5, v4;
	_ =	sdelay $0x1  }
0x1da: {  	v5 =	vsub.f32 $0.0e+00, v5;
	_ =	sdelay $0x1  }
0x1db: {  	v5 =	vmul.f32 $1.442695020e+00, v5;
	_ =	sdelay $0x1  }
0x1dc: {  	(erf) = vpow2.f32 v5;
	_ =	sdelay $0x8  }
0x1dd: {  	v5 =	vpop (erf)  }
0x1de: {  	v5 =	vadd.f32 $1.000000000e+00, v5;
	_ =	sdelay $0x1  }
0x1df: {  	(erf) = vrcp.f32 v5;
	_ =	sdelay $0x7  }
.Ltmp2:
0x1e0: {  	(pc) =	sbr.rel @p0 .LBB2_4-.Ltmp2, $3  }
0x1e1: {  	v5 =	vpop (erf)  }
0x1e2: {  	v5 =	vmul.f32 $1.000000000e+04, v5;
	_ =	sdelay $0x1  }
0x1e3: {  	v6 =	vmov s0;
	s0 =	sadd.s32 $0x10, s0;
	v5 =	vadd.f32 $8.388608000e+06, v5  }
0x1e4: {  	v6 =	vshll.u32 v6, $0x4  }
0x1e5: {  	v6 =	vor.u32 v3, v6;
	v5 =	vadd.f32 $-8.388608000e+06, v5;
	_ =	sdelay $0x1  }
0x1e6: {  	v7 =	vor.u32 $0x1, v6;
	v5 =	vmul.f32 v5, v1  }
0x1e7: {  	s0 =	sadd.s32 $0x10, s2  }
0x1e8: {  	v8 =	vor.u32 $0x2, v6;
	[tilespmem:s0+$0x0] =	vst v5  }
0x1e9: {  	v5 =	vld.idx.msk [tilespmem:v6+s28+$0x0], $0xffff  }
0x1ea: {  	v9 =	vor.u32 $0x3, v6  }
0x1eb: {  	v7 =	vld.idx.msk [tilespmem:v7+s28+$0x0], $0xffff  }
0x1ec: {  	v10 =	vor.u32 $0x4, v6  }
0x1ed: {  	v8 =	vld.idx.msk [tilespmem:v8+s28+$0x0], $0xffff  }
0x1ee: {  	v11 =	vor.u32 $0x5, v6;
	v5 =	vadd.f32 $0.0e+00, v5  }
0x1ef: {  	v9 =	vld.idx.msk [tilespmem:v9+s28+$0x0], $0xffff  }
0x1f0: {  	v12 =	vor.u32 $0x6, v6;
	v5 =	vadd.f32 v7, v5  }
0x1f1: {  	v45 =	vld.idx.msk [tilespmem:v10+s28+$0x0], $0xffff  }
0x1f2: {  	v46 =	vor.u32 $0x7, v6;
	v5 =	vadd.f32 v8, v5  }
0x1f3: {  	v47 =	vld.idx.msk [tilespmem:v11+s28+$0x0], $0xffff  }
0x1f4: {  	v48 =	vor.u32 $0x8, v6;
	v5 =	vadd.f32 v9, v5  }
0x1f5: {  	v49 =	vld.idx.msk [tilespmem:v12+s28+$0x0], $0xffff  }
0x1f6: {  	v50 =	vor.u32 $0x9, v6;
	v5 =	vadd.f32 v45, v5  }
0x1f7: {  	v51 =	vld.idx.msk [tilespmem:v46+s28+$0x0], $0xffff  }
0x1f8: {  	v52 =	vor.u32 $0xA, v6;
	v5 =	vadd.f32 v47, v5  }
0x1f9: {  	v53 =	vld.idx.msk [tilespmem:v48+s28+$0x0], $0xffff  }
0x1fa: {  	v54 =	vor.u32 $0xB, v6;
	v5 =	vadd.f32 v49, v5  }
0x1fb: {  	v55 =	vld.idx.msk [tilespmem:v50+s28+$0x0], $0xffff  }
0x1fc: {  	v56 =	vor.u32 $0xC, v6;
	v5 =	vadd.f32 v51, v5  }
0x1fd: {  	v57 =	vld.idx.msk [tilespmem:v52+s28+$0x0], $0xffff  }
0x1fe: {  	v58 =	vor.u32 $0xD, v6;
	v5 =	vadd.f32 v53, v5  }
0x1ff: {  	v59 =	vld.idx.msk [tilespmem:v54+s28+$0x0], $0xffff  }
0x200: {  	v60 =	vor.u32 $0xE, v6;
	v5 =	vadd.f32 v55, v5  }
0x201: {  	v61 =	vld.idx.msk [tilespmem:v56+s28+$0x0], $0xffff  }
0x202: {  	v6 =	vor.u32 $0xF, v6;
	v5 =	vadd.f32 v57, v5  }
0x203: {  	v62 =	vld.idx.msk [tilespmem:v58+s28+$0x0], $0xffff  }
0x204: {  	v5 =	vadd.f32 v59, v5  }
0x205: {  	v63 =	vld.idx.msk [tilespmem:v60+s28+$0x0], $0xffff  }
0x206: {  	v5 =	vadd.f32 v61, v5  }
0x207: {  	v6 =	vld.idx.msk [tilespmem:v6+s28+$0x0], $0xffff  }
0x208: {  	v5 =	vadd.f32 v62, v5;
	_ =	sdelay $0x1  }
0x209: {  	v5 =	vadd.f32 v63, v5;
	_ =	sdelay $0x1  }
0x20a: {  	v5 =	vadd.f32 v6, v5;
	_ =	sdelay $0x1  }
0x20b: {  	v5 =	vmul.f32 v5, v0;
	_ =	sdelay $0x1  }
0x20c: {  	v4 =	vadd.f32 v5, v4;
	_ =	sdelay $0x1  }
0x20d: {  	v4 =	vsub.f32 $0.0e+00, v4;
	_ =	sdelay $0x1  }
0x20e: {  	v4 =	vmul.f32 $1.442695020e+00, v4;
	_ =	sdelay $0x1  }
0x20f: {  	(erf) = vpow2.f32 v4;
	_ =	sdelay $0x8  }
0x210: {  	v4 =	vpop (erf)  }
0x211: {  	v4 =	vadd.f32 $1.000000000e+00, v4;
	_ =	sdelay $0x1  }
0x212: {  	(erf) = vrcp.f32 v4;
	_ =	sdelay $0x8  }
0x213: {  	v4 =	vpop (erf)  }
0x214: {  	v4 =	vmul.f32 $1.000000000e+04, v4;
	_ =	sdelay $0x1  }
0x215: {  	v4 =	vadd.f32 $8.388608000e+06, v4;
	_ =	sdelay $0x1  }
0x216: {  	v4 =	vadd.f32 $-8.388608000e+06, v4;
	_ =	sdelay $0x1  }
0x217: {  	s30 =	sadd.s32 $0x1, s30;
	v4 =	vmul.f32 v4, v1  }
0x218: {  	p0 =	sne.s32 s30, s7;
	s0 =	sadd.s32 $0x10, s0  }
.Ltmp3:
0x219: {  	[tilespmem:s0+$0x0] =	vst v4;
	(pc) =	sbr.rel @p0 .LBB2_1-.Ltmp3, $4  }
0x21a: {  	[hbm4b:s6+s4] =	stream.linear.scatter [tilespmem:s29], [sflag:$0x9], $0x200, $0x38;
	[tilespmem:$0x1B890] =	vst v63  }
0x21b: {  	_ =	swait.ge [sflag:s8], $0x200  }
0x21c: {  	[sflag:s8] =	ssyncset.done $0x0  }
0x21d: {  	[sflag:s8] =	ssyncadd.s32 $0xFFFFFE00  }
0x21e: {  	_ =	sfence.sel $0x180000  }
0x21f: {  	[bflag:$0x0] =	sbarrier.arrive $0xFFFF  }
0x220: {  	_ =	strace $0x90000047  }
0x221: {  	s0 =	stileid.u32;
	[bflag:$0x2] =	sbarrier.arrive $0xFFFF  }
0x222: {  	p0 =	sne.s32 s0, $0x0;
	s0 =	rddreg [dreg:$0x4]  }
0x223: {  	s0 =	sadd.s32 @!p0 $0x100000, s0  }
0x224: {  	[sflag:s0] =	ssyncadd.tile.s32 @!p0 $0x1;
	_ =	shalt  }
.Lfunc_end2:
_tile_overlayer_lowered:
.L_overlay_start_2:
0x225: {  	(tag) =	ssettag $0x2  }
0x226: {  	s0 =	rddreg [dreg:$0x0];
	s2 =	stileid.u32  }
0x227: {  	s1 =	rddreg [dreg:$0x1];
	p0 =	sne.s32 s2, $0x0  }
0x228: {  	s3 =	rddreg [dreg:$0x2];
	[bflag:$0x3] =	sbarrier.arrive $0xFFFF;
	s2 =	simm.s32 @!p0 $0x1C09  }
0x229: {  	[timem:s3], [sflag:s2] =	dma.local @!p0 [hbm:s0], s1  }
0x22a: {  	s0 =	simm.s32 @!p0 $0x9  }
0x22b: {  	_ =	swait.ge @!p0 [sflag:s0], s1  }
0x22c: {  	s1 =	ssub.s32 @!p0 $0x0, s1;
	[sflag:s0] =	ssyncset.done @!p0 $0x0  }
0x22d: {  	[sflag:s0] =	ssyncadd.s32 @!p0 s1  }
0x22e: {  	[bflag:$0x3] =	sbarrier.arrive $0xFFFF  }
0x22f: {  	_ =	shalt  }

</sc_bundles>
